<compile_context>
chip_gen: v7x
topology: tpu7x:2x2x1
jax: 0.10.2.dev20260603
libtpu: 0.0.44.dev20260713+nightly
codegen_flags: <defaults>
</compile_context>

<pallas_src>
import functools

import jax
import jax.numpy as jnp
from jax import lax
from jax.experimental import pallas as pl
from jax.experimental.pallas import tpu as pltpu
from jax.experimental.pallas import tpu_sc as plsc

_B, _C, _K, _D = 4096, 20, 20, 64
_V2 = 500000
_NC, _NS = 2, 16
_NW = _NC * _NS
_EPW = _B // _NW
_E = 16
_NCHUNK = _EPW // _E
_P = _E * _C
_GSUB = 4
_SUB = _P // _GSUB


def _sc_pred(ctx_idx, foc_idx, cemb2, nemb2):
    mesh = plsc.VectorSubcoreMesh(core_axis_name="c", subcore_axis_name="s")

    @functools.partial(
        pl.kernel,
        out_type=jax.ShapeDtypeStruct((_B * _K,), jnp.float32),
        mesh=mesh,
        scratch_types=[
            pltpu.VMEM((_P,), jnp.int32),
            pltpu.VMEM((_P,), jnp.int32),
            pltpu.VMEM((_P,), jnp.int32),
            pltpu.VMEM((_P,), jnp.int32),
            pltpu.VMEM((_P,), jnp.int32),
            pltpu.VMEM((_P,), jnp.int32),
            pltpu.VMEM((_P, 2 * _D), jnp.float32),
            pltpu.VMEM((_P, 2 * _D), jnp.float32),
            pltpu.VMEM((_E, _D), jnp.float32),
            pltpu.VMEM((_P,), jnp.float32),
            pltpu.SemaphoreType.DMA,
            pltpu.SemaphoreType.DMA,
        ],
        compiler_params=pltpu.CompilerParams(
            use_tc_tiling_on_sc=False, needs_layout_passes=False),
    )
    def k(ci_hbm, fi_hbm, ce_hbm, ne_hbm, pred_hbm,
          ci_v, fi_v, cu_v, fu_v, ch_v, fh_v, cr_v, tr_v, src_v, pr_v,
          sem1, sem2):
        wid = lax.axis_index("s") * _NC + lax.axis_index("c")
        lane = lax.iota(jnp.int32, 16)

        def chunk_body(c, carry):
            po = (wid * _EPW + c * _E) * _C
            pltpu.sync_copy(ci_hbm.at[pl.ds(po, _P)], ci_v)
            pltpu.sync_copy(fi_hbm.at[pl.ds(po, _P)], fi_v)

            def ibody(i, icarry):
                sl = pl.ds(i * 16, 16)
                cw = ci_v[sl]
                cu_v[sl] = cw >> 1
                ch_v[sl] = (cw & 1) << 6
                fw = fi_v[sl]
                fu_v[sl] = fw >> 1
                fh_v[sl] = (fw & 1) << 6
                return icarry
            lax.fori_loop(0, _P // 16, ibody, 0)

            copies = []
            for i in range(_GSUB):
                s = pl.ds(i * _SUB, _SUB)
                copies.append(
                    pltpu.async_copy(ce_hbm.at[cu_v.at[s]], cr_v.at[s], sem1))
                copies.append(
                    pltpu.async_copy(ne_hbm.at[fu_v.at[s]], tr_v.at[s], sem2))
            for cp in copies:
                cp.wait()

            def ebody(e, ecarry):
                base = e * _C
                ha = ch_v[pl.ds(base, 16)]
                hb = ch_v[pl.ds(base + 4, 16)]
                for d4 in range(_D // 16):
                    h0 = ha[0]
                    acc = cr_v[base, pl.ds(h0 + d4 * 16, 16)]
                    for cc in range(1, _C):
                        h = ha[cc] if cc < 16 else hb[cc - 4]
                        acc = acc + cr_v[base + cc, pl.ds(h + d4 * 16, 16)]
                    src_v[e, pl.ds(d4 * 16, 16)] = acc
                return ecarry
            lax.fori_loop(0, _E, ebody, 0)

            def gbody(g, gcarry):
                row = g * 16 + lane
                b_loc = row // _K
                th = plsc.load_gather(fh_v, [row])
                acc = jnp.zeros((16,), jnp.float32)
                for d in range(_D):
                    dsp = jnp.full((16,), d, jnp.int32)
                    s = plsc.load_gather(src_v, [b_loc, dsp])
                    t = plsc.load_gather(tr_v, [row, th + dsp])
                    acc = acc + s * t
                pr_v[pl.ds(g * 16, 16)] = acc
                return gcarry
            lax.fori_loop(0, _P // 16, gbody, 0)

            pltpu.sync_copy(pr_v, pred_hbm.at[pl.ds(po, _P)])
            return carry

        lax.fori_loop(0, _NCHUNK, chunk_body, 0)

    return k(ctx_idx, foc_idx, cemb2, nemb2)


def _tc_loss_body(p_ref, w_ref, l_ref, o_ref):
    p = p_ref[...]
    w = w_ref[...]
    lbl = l_ref[...]
    bce = jnp.maximum(p, 0.0) - p * lbl + jnp.log1p(jnp.exp(-jnp.abs(p)))
    num = jnp.sum(w * bce, axis=1, keepdims=True)
    den = jnp.sum(w, axis=1, keepdims=True)
    o_ref[...] = jnp.sum(num / den, axis=0, keepdims=True) / p_ref.shape[0]


def kernel(input, focus_word, weight_mask, labels, context_emb, neg_emb):
    ci = input.reshape(-1)
    fi = focus_word.reshape(-1)
    ct2 = context_emb.reshape(_V2, 2 * _D)
    nt2 = neg_emb.reshape(_V2, 2 * _D)
    pred = _sc_pred(ci, fi, ct2, nt2)
    loss = pl.pallas_call(
        _tc_loss_body,
        out_shape=jax.ShapeDtypeStruct((1, 1), jnp.float32),
    )(pred.reshape(_B, _K), weight_mask, labels)
    return loss[0, 0]

# --- scband reference (transcript-rebuilt; emitter-appended) ---
"""Pipeline reference for scband-cbow-1-68221260530031 (READ-ONLY COPY).

The authoritative reference and input builder live on the scoring server;
editing this copy changes nothing except your own understanding.
"""

import jax, jax.numpy as jnp
import numpy as np

V = 1000000
D = 64
B = 4096
C = 20  # context words per example
K = 20  # focus/negative words per example


def setup_inputs(seed: int = 0) -> dict:
    key = jax.random.key(seed)
    k1, k2, k3, k4, k5, k6 = jax.random.split(key, 6)
    inp = jax.random.randint(k1, (B, C), 0, V, dtype=jnp.int32)
    focus_word = jax.random.randint(k2, (B, K), 0, V, dtype=jnp.int32)
    weight_mask = jax.random.uniform(k3, (B, K), dtype=jnp.float32)
    labels = jax.random.uniform(k4, (B, K), dtype=jnp.float32)
    context_emb = jax.random.normal(k5, (V, D), dtype=jnp.float32) * 0.02
    neg_emb = jax.random.normal(k6, (V, D), dtype=jnp.float32) * 0.02
    return {
        "input": inp,
        "focus_word": focus_word,
        "weight_mask": weight_mask,
        "labels": labels,
        "context_emb": context_emb,
        "neg_emb": neg_emb,
    }


def reference(input, focus_word, weight_mask, labels, context_emb, neg_emb):
    # Sum of context word embeddings per example: [B, D]
    src_embeds = jnp.take(context_emb, input, axis=0).sum(axis=1)
    # Negative/focus word embeddings: [B, K, D]
    target_embeds = jnp.take(neg_emb, focus_word, axis=0)
    # bmm(src[B,1,D], tgt^T[B,D,K]) -> [B, K]
    pred = jnp.einsum('bd,bkd->bk', src_embeds, target_embeds)
    # binary_cross_entropy_with_logits with per-element weight, reduction='none'
    bce = jnp.maximum(pred, 0.0) - pred * labels + jnp.log1p(jnp.exp(-jnp.abs(pred)))
    loss = weight_mask * bce
    loss = (loss.mean(axis=1) * weight_mask.shape[1] / weight_mask.sum(axis=1)).mean()
    return loss

if __name__ == "__main__":
    import jax
    _d = setup_inputs()
    print(jax.jit(kernel)(*tuple(_d.values())))

</pallas_src>

<mosaic_0001>
#map = affine_map<(d0, d1) -> (0)>
#map1 = affine_map<(d0, d1) -> (0, 0)>
module attributes {stable_mosaic.version = 14 : i64} {
  func.func @k(%arg0: i32, %arg1: i32, %arg2: memref<81920xi32, #tpu.memory_space<hbm>>, %arg3: memref<81920xi32, #tpu.memory_space<hbm>>, %arg4: memref<500000x128xf32, #tpu.memory_space<hbm>>, %arg5: memref<500000x128xf32, #tpu.memory_space<hbm>>, %arg6: memref<81920xf32, #tpu.memory_space<hbm>>, %arg7: memref<320xi32, #tpu.memory_space<vmem>>, %arg8: memref<320xi32, #tpu.memory_space<vmem>>, %arg9: memref<320xi32, #tpu.memory_space<vmem>>, %arg10: memref<320xi32, #tpu.memory_space<vmem>>, %arg11: memref<320xi32, #tpu.memory_space<vmem>>, %arg12: memref<320xi32, #tpu.memory_space<vmem>>, %arg13: memref<320x128xf32, #tpu.memory_space<vmem>>, %arg14: memref<320x128xf32, #tpu.memory_space<vmem>>, %arg15: memref<16x64xf32, #tpu.memory_space<vmem>>, %arg16: memref<320xf32, #tpu.memory_space<vmem>>, %arg17: memref<!tpu.dma_semaphore, #tpu.memory_space<semaphore_mem>>, %arg18: memref<!tpu.dma_semaphore, #tpu.memory_space<semaphore_mem>>) attributes {dimension_semantics = [#tpu.dimension_semantics<core_parallel>, #tpu.dimension_semantics<subcore_parallel>], iteration_bounds = array<i64: 2, 16>, scalar_prefetch = 0 : i64, scratch_operands = 12 : i64, tpu.core_type = #tpu.core_type<sc_vector_subcore>, window_params = [{transform_indices = #map}, {transform_indices = #map}, {transform_indices = #map1}, {transform_indices = #map1}, {transform_indices = #map}]} {
    %mul3A = arith.constant 2 : i32
    %mul3A_0 = arith.muli %arg1, %mul3A : i32
    %add3A = arith.addi %mul3A_0, %arg0 : i32
    %iota3A = tpu.iota {dimensions = array<i32: 0>} : vector<16xi32>
    %scan3A = arith.constant 0 : i32
    %scan3A_1 = arith.constant 0 : i32
    %scan3A_2 = arith.constant 8 : i32
    %scan3A_3 = arith.addi %scan3A_1, %scan3A_2 : i32
    %scan3A_4 = arith.constant 1 : i32
    scf.for %scan3A_6 = %scan3A_1 to %scan3A_3 step %scan3A_4  : i32 {
      %mul3A_7 = arith.constant 128 : i32
      %mul3A_8 = arith.muli %add3A, %mul3A_7 : i32
      %mul3A_9 = arith.constant 16 : i32
      %mul3A_10 = arith.muli %scan3A_6, %mul3A_9 : i32
      %add3A_11 = arith.addi %mul3A_8, %mul3A_10 : i32
      %mul3A_12 = arith.constant 20 : i32
      %mul3A_13 = arith.muli %add3A_11, %mul3A_12 : i32
      "tpu.region"() ({
        %run_scoped3A = tpu.sem_alloc : memref<!tpu.dma_semaphore, #tpu.memory_space<semaphore_mem>>
        %dma_start3A_158 = tpu.memref_slice %arg2[%mul3A_13] : memref<81920xi32, #tpu.memory_space<hbm>> -> memref<320xi32, #tpu.memory_space<hbm>>
        %dma_start3A_159 = tpu.memref_slice %arg2[%mul3A_13] : memref<81920xi32, #tpu.memory_space<hbm>> -> memref<320xi32, #tpu.memory_space<hbm>>
        tpu.enqueue_dma source(%dma_start3A_159 : memref<320xi32, #tpu.memory_space<hbm>>) target(%arg7 : memref<320xi32, #tpu.memory_space<vmem>>) target_semaphore(%run_scoped3A : memref<!tpu.dma_semaphore, #tpu.memory_space<semaphore_mem>>)
        %dma_wait3A_160 = tpu.memref_slice %arg2[%mul3A_13] : memref<81920xi32, #tpu.memory_space<hbm>> -> memref<320xi32, #tpu.memory_space<hbm>>
        %dma_wait3A_161 = tpu.memref_slice %arg2[%mul3A_13] : memref<81920xi32, #tpu.memory_space<hbm>> -> memref<320xi32, #tpu.memory_space<hbm>>
        tpu.wait_dma2 semaphore(%run_scoped3A : memref<!tpu.dma_semaphore, #tpu.memory_space<semaphore_mem>>) src(%dma_wait3A_161 : memref<320xi32, #tpu.memory_space<hbm>>) dst(%arg7 : memref<320xi32, #tpu.memory_space<vmem>>)
        tpu.yield
      }) : () -> ()
      "tpu.region"() ({
        %run_scoped3A = tpu.sem_alloc : memref<!tpu.dma_semaphore, #tpu.memory_space<semaphore_mem>>
        %dma_start3A_158 = tpu.memref_slice %arg3[%mul3A_13] : memref<81920xi32, #tpu.memory_space<hbm>> -> memref<320xi32, #tpu.memory_space<hbm>>
        %dma_start3A_159 = tpu.memref_slice %arg3[%mul3A_13] : memref<81920xi32, #tpu.memory_space<hbm>> -> memref<320xi32, #tpu.memory_space<hbm>>
        tpu.enqueue_dma source(%dma_start3A_159 : memref<320xi32, #tpu.memory_space<hbm>>) target(%arg8 : memref<320xi32, #tpu.memory_space<vmem>>) target_semaphore(%run_scoped3A : memref<!tpu.dma_semaphore, #tpu.memory_space<semaphore_mem>>)
        %dma_wait3A_160 = tpu.memref_slice %arg3[%mul3A_13] : memref<81920xi32, #tpu.memory_space<hbm>> -> memref<320xi32, #tpu.memory_space<hbm>>
        %dma_wait3A_161 = tpu.memref_slice %arg3[%mul3A_13] : memref<81920xi32, #tpu.memory_space<hbm>> -> memref<320xi32, #tpu.memory_space<hbm>>
        tpu.wait_dma2 semaphore(%run_scoped3A : memref<!tpu.dma_semaphore, #tpu.memory_space<semaphore_mem>>) src(%dma_wait3A_161 : memref<320xi32, #tpu.memory_space<hbm>>) dst(%arg8 : memref<320xi32, #tpu.memory_space<vmem>>)
        tpu.yield
      }) : () -> ()
      %scan3A_14 = arith.constant 0 : i32
      %scan3A_15 = arith.constant 0 : i32
      %scan3A_16 = arith.constant 20 : i32
      %scan3A_17 = arith.addi %scan3A_15, %scan3A_16 : i32
      %scan3A_18 = arith.constant 1 : i32
      scf.for %scan3A_158 = %scan3A_15 to %scan3A_17 step %scan3A_18  : i32 {
        %mul3A_159 = arith.constant 16 : i32
        %mul3A_160 = arith.muli %scan3A_158, %mul3A_159 : i32
        %get3A = arith.index_cast %mul3A_160 : i32 to index
        %get3A_161 = tpu.vector_load %arg7[%get3A] {strides = array<i32>} : memref<320xi32, #tpu.memory_space<vmem>>, vector<16xi32>,
        %shift_right_arithmetic3A = arith.constant 1 : i32
        %shift_right_arithmetic3A_162 = vector.broadcast %shift_right_arithmetic3A : i32 to vector<16xi32>
        %shift_right_arithmetic3A_163 = arith.shrsi %get3A_161, %shift_right_arithmetic3A_162 : vector<16xi32>
        %swap3A = arith.index_cast %mul3A_160 : i32 to index
        %swap3A_164 = tpu.vector_load %arg9[%swap3A] {strides = array<i32>} : memref<320xi32, #tpu.memory_space<vmem>>, vector<16xi32>,
        tpu.vector_store %arg9[%swap3A], %shift_right_arithmetic3A_163 {strides = array<i32>} : memref<320xi32, #tpu.memory_space<vmem>>, vector<16xi32>,
        %and3A = arith.constant 1 : i32
        %and3A_165 = vector.broadcast %and3A : i32 to vector<16xi32>
        %and3A_166 = arith.andi %get3A_161, %and3A_165 : vector<16xi32>
        %shift_left3A = arith.constant 6 : i32
        %shift_left3A_167 = vector.broadcast %shift_left3A : i32 to vector<16xi32>
        %shift_left3A_168 = arith.shli %and3A_166, %shift_left3A_167 : vector<16xi32>
        %swap3A_169 = arith.index_cast %mul3A_160 : i32 to index
        %swap3A_170 = tpu.vector_load %arg11[%swap3A_169] {strides = array<i32>} : memref<320xi32, #tpu.memory_space<vmem>>, vector<16xi32>,
        tpu.vector_store %arg11[%swap3A_169], %shift_left3A_168 {strides = array<i32>} : memref<320xi32, #tpu.memory_space<vmem>>, vector<16xi32>,
        %get3A_171 = arith.index_cast %mul3A_160 : i32 to index
        %get3A_172 = tpu.vector_load %arg8[%get3A_171] {strides = array<i32>} : memref<320xi32, #tpu.memory_space<vmem>>, vector<16xi32>,
        %shift_right_arithmetic3A_173 = arith.constant 1 : i32
        %shift_right_arithmetic3A_174 = vector.broadcast %shift_right_arithmetic3A_173 : i32 to vector<16xi32>
        %shift_right_arithmetic3A_175 = arith.shrsi %get3A_172, %shift_right_arithmetic3A_174 : vector<16xi32>
        %swap3A_176 = arith.index_cast %mul3A_160 : i32 to index
        %swap3A_177 = tpu.vector_load %arg10[%swap3A_176] {strides = array<i32>} : memref<320xi32, #tpu.memory_space<vmem>>, vector<16xi32>,
        tpu.vector_store %arg10[%swap3A_176], %shift_right_arithmetic3A_175 {strides = array<i32>} : memref<320xi32, #tpu.memory_space<vmem>>, vector<16xi32>,
        %and3A_178 = arith.constant 1 : i32
        %and3A_179 = vector.broadcast %and3A_178 : i32 to vector<16xi32>
        %and3A_180 = arith.andi %get3A_172, %and3A_179 : vector<16xi32>
        %shift_left3A_181 = arith.constant 6 : i32
        %shift_left3A_182 = vector.broadcast %shift_left3A_181 : i32 to vector<16xi32>
        %shift_left3A_183 = arith.shli %and3A_180, %shift_left3A_182 : vector<16xi32>
        %swap3A_184 = arith.index_cast %mul3A_160 : i32 to index
        %swap3A_185 = tpu.vector_load %arg12[%swap3A_184] {strides = array<i32>} : memref<320xi32, #tpu.memory_space<vmem>>, vector<16xi32>,
        tpu.vector_store %arg12[%swap3A_184], %shift_left3A_183 {strides = array<i32>} : memref<320xi32, #tpu.memory_space<vmem>>, vector<16xi32>,
      }
      %scan3A_19 = arith.constant 20 : i32
      %dma_start3A = arith.constant 0 : i32
      %dma_start3A_20 = arith.constant 0 : i32
      %dma_start3A_21 = tpu.memref_slice %arg13[%dma_start3A, %dma_start3A_20] : memref<320x128xf32, #tpu.memory_space<vmem>> -> memref<80x128xf32, #tpu.memory_space<vmem>>
      %dma_start3A_22 = arith.constant 0 : i32
      %dma_start3A_23 = tpu.memref_slice %arg9[%dma_start3A_22] : memref<320xi32, #tpu.memory_space<vmem>> -> memref<80xi32, #tpu.memory_space<vmem>>
      %dma_start3A_24 = arith.constant 0 : i32
      %dma_start3A_25 = arith.constant 0 : i32
      %dma_start3A_26 = tpu.memref_slice %arg4[%dma_start3A_24, %dma_start3A_25] : memref<500000x128xf32, #tpu.memory_space<hbm>> -> memref<500000x128xf32, #tpu.memory_space<hbm>>
      tpu.enqueue_indirect_dma source(%dma_start3A_26 : memref<500000x128xf32, #tpu.memory_space<hbm>>) target(%dma_start3A_21 : memref<80x128xf32, #tpu.memory_space<vmem>>) offsets(%dma_start3A_23 : memref<80xi32, #tpu.memory_space<vmem>>) semaphore(%arg17 : memref<!tpu.dma_semaphore, #tpu.memory_space<semaphore_mem>>)
      %dma_start3A_27 = arith.constant 0 : i32
      %dma_start3A_28 = arith.constant 0 : i32
      %dma_start3A_29 = tpu.memref_slice %arg14[%dma_start3A_27, %dma_start3A_28] : memref<320x128xf32, #tpu.memory_space<vmem>> -> memref<80x128xf32, #tpu.memory_space<vmem>>
      %dma_start3A_30 = arith.constant 0 : i32
      %dma_start3A_31 = tpu.memref_slice %arg10[%dma_start3A_30] : memref<320xi32, #tpu.memory_space<vmem>> -> memref<80xi32, #tpu.memory_space<vmem>>
      %dma_start3A_32 = arith.constant 0 : i32
      %dma_start3A_33 = arith.constant 0 : i32
      %dma_start3A_34 = tpu.memref_slice %arg5[%dma_start3A_32, %dma_start3A_33] : memref<500000x128xf32, #tpu.memory_space<hbm>> -> memref<500000x128xf32, #tpu.memory_space<hbm>>
      tpu.enqueue_indirect_dma source(%dma_start3A_34 : memref<500000x128xf32, #tpu.memory_space<hbm>>) target(%dma_start3A_29 : memref<80x128xf32, #tpu.memory_space<vmem>>) offsets(%dma_start3A_31 : memref<80xi32, #tpu.memory_space<vmem>>) semaphore(%arg18 : memref<!tpu.dma_semaphore, #tpu.memory_space<semaphore_mem>>)
      %dma_start3A_35 = arith.constant 80 : i32
      %dma_start3A_36 = arith.constant 0 : i32
      %dma_start3A_37 = tpu.memref_slice %arg13[%dma_start3A_35, %dma_start3A_36] : memref<320x128xf32, #tpu.memory_space<vmem>> -> memref<80x128xf32, #tpu.memory_space<vmem>>
      %dma_start3A_38 = arith.constant 80 : i32
      %dma_start3A_39 = tpu.memref_slice %arg9[%dma_start3A_38] : memref<320xi32, #tpu.memory_space<vmem>> -> memref<80xi32, #tpu.memory_space<vmem>>
      %dma_start3A_40 = arith.constant 0 : i32
      %dma_start3A_41 = arith.constant 0 : i32
      %dma_start3A_42 = tpu.memref_slice %arg4[%dma_start3A_40, %dma_start3A_41] : memref<500000x128xf32, #tpu.memory_space<hbm>> -> memref<500000x128xf32, #tpu.memory_space<hbm>>
      tpu.enqueue_indirect_dma source(%dma_start3A_42 : memref<500000x128xf32, #tpu.memory_space<hbm>>) target(%dma_start3A_37 : memref<80x128xf32, #tpu.memory_space<vmem>>) offsets(%dma_start3A_39 : memref<80xi32, #tpu.memory_space<vmem>>) semaphore(%arg17 : memref<!tpu.dma_semaphore, #tpu.memory_space<semaphore_mem>>)
      %dma_start3A_43 = arith.constant 80 : i32
      %dma_start3A_44 = arith.constant 0 : i32
      %dma_start3A_45 = tpu.memref_slice %arg14[%dma_start3A_43, %dma_start3A_44] : memref<320x128xf32, #tpu.memory_space<vmem>> -> memref<80x128xf32, #tpu.memory_space<vmem>>
      %dma_start3A_46 = arith.constant 80 : i32
      %dma_start3A_47 = tpu.memref_slice %arg10[%dma_start3A_46] : memref<320xi32, #tpu.memory_space<vmem>> -> memref<80xi32, #tpu.memory_space<vmem>>
      %dma_start3A_48 = arith.constant 0 : i32
      %dma_start3A_49 = arith.constant 0 : i32
      %dma_start3A_50 = tpu.memref_slice %arg5[%dma_start3A_48, %dma_start3A_49] : memref<500000x128xf32, #tpu.memory_space<hbm>> -> memref<500000x128xf32, #tpu.memory_space<hbm>>
      tpu.enqueue_indirect_dma source(%dma_start3A_50 : memref<500000x128xf32, #tpu.memory_space<hbm>>) target(%dma_start3A_45 : memref<80x128xf32, #tpu.memory_space<vmem>>) offsets(%dma_start3A_47 : memref<80xi32, #tpu.memory_space<vmem>>) semaphore(%arg18 : memref<!tpu.dma_semaphore, #tpu.memory_space<semaphore_mem>>)
      %dma_start3A_51 = arith.constant 160 : i32
      %dma_start3A_52 = arith.constant 0 : i32
      %dma_start3A_53 = tpu.memref_slice %arg13[%dma_start3A_51, %dma_start3A_52] : memref<320x128xf32, #tpu.memory_space<vmem>> -> memref<80x128xf32, #tpu.memory_space<vmem>>
      %dma_start3A_54 = arith.constant 160 : i32
      %dma_start3A_55 = tpu.memref_slice %arg9[%dma_start3A_54] : memref<320xi32, #tpu.memory_space<vmem>> -> memref<80xi32, #tpu.memory_space<vmem>>
      %dma_start3A_56 = arith.constant 0 : i32
      %dma_start3A_57 = arith.constant 0 : i32
      %dma_start3A_58 = tpu.memref_slice %arg4[%dma_start3A_56, %dma_start3A_57] : memref<500000x128xf32, #tpu.memory_space<hbm>> -> memref<500000x128xf32, #tpu.memory_space<hbm>>
      tpu.enqueue_indirect_dma source(%dma_start3A_58 : memref<500000x128xf32, #tpu.memory_space<hbm>>) target(%dma_start3A_53 : memref<80x128xf32, #tpu.memory_space<vmem>>) offsets(%dma_start3A_55 : memref<80xi32, #tpu.memory_space<vmem>>) semaphore(%arg17 : memref<!tpu.dma_semaphore, #tpu.memory_space<semaphore_mem>>)
      %dma_start3A_59 = arith.constant 160 : i32
      %dma_start3A_60 = arith.constant 0 : i32
      %dma_start3A_61 = tpu.memref_slice %arg14[%dma_start3A_59, %dma_start3A_60] : memref<320x128xf32, #tpu.memory_space<vmem>> -> memref<80x128xf32, #tpu.memory_space<vmem>>
      %dma_start3A_62 = arith.constant 160 : i32
      %dma_start3A_63 = tpu.memref_slice %arg10[%dma_start3A_62] : memref<320xi32, #tpu.memory_space<vmem>> -> memref<80xi32, #tpu.memory_space<vmem>>
      %dma_start3A_64 = arith.constant 0 : i32
      %dma_start3A_65 = arith.constant 0 : i32
      %dma_start3A_66 = tpu.memref_slice %arg5[%dma_start3A_64, %dma_start3A_65] : memref<500000x128xf32, #tpu.memory_space<hbm>> -> memref<500000x128xf32, #tpu.memory_space<hbm>>
      tpu.enqueue_indirect_dma source(%dma_start3A_66 : memref<500000x128xf32, #tpu.memory_space<hbm>>) target(%dma_start3A_61 : memref<80x128xf32, #tpu.memory_space<vmem>>) offsets(%dma_start3A_63 : memref<80xi32, #tpu.memory_space<vmem>>) semaphore(%arg18 : memref<!tpu.dma_semaphore, #tpu.memory_space<semaphore_mem>>)
      %dma_start3A_67 = arith.constant 240 : i32
      %dma_start3A_68 = arith.constant 0 : i32
      %dma_start3A_69 = tpu.memref_slice %arg13[%dma_start3A_67, %dma_start3A_68] : memref<320x128xf32, #tpu.memory_space<vmem>> -> memref<80x128xf32, #tpu.memory_space<vmem>>
      %dma_start3A_70 = arith.constant 240 : i32
      %dma_start3A_71 = tpu.memref_slice %arg9[%dma_start3A_70] : memref<320xi32, #tpu.memory_space<vmem>> -> memref<80xi32, #tpu.memory_space<vmem>>
      %dma_start3A_72 = arith.constant 0 : i32
      %dma_start3A_73 = arith.constant 0 : i32
      %dma_start3A_74 = tpu.memref_slice %arg4[%dma_start3A_72, %dma_start3A_73] : memref<500000x128xf32, #tpu.memory_space<hbm>> -> memref<500000x128xf32, #tpu.memory_space<hbm>>
      tpu.enqueue_indirect_dma source(%dma_start3A_74 : memref<500000x128xf32, #tpu.memory_space<hbm>>) target(%dma_start3A_69 : memref<80x128xf32, #tpu.memory_space<vmem>>) offsets(%dma_start3A_71 : memref<80xi32, #tpu.memory_space<vmem>>) semaphore(%arg17 : memref<!tpu.dma_semaphore, #tpu.memory_space<semaphore_mem>>)
      %dma_start3A_75 = arith.constant 240 : i32
      %dma_start3A_76 = arith.constant 0 : i32
      %dma_start3A_77 = tpu.memref_slice %arg14[%dma_start3A_75, %dma_start3A_76] : memref<320x128xf32, #tpu.memory_space<vmem>> -> memref<80x128xf32, #tpu.memory_space<vmem>>
      %dma_start3A_78 = arith.constant 240 : i32
      %dma_start3A_79 = tpu.memref_slice %arg10[%dma_start3A_78] : memref<320xi32, #tpu.memory_space<vmem>> -> memref<80xi32, #tpu.memory_space<vmem>>
      %dma_start3A_80 = arith.constant 0 : i32
      %dma_start3A_81 = arith.constant 0 : i32
      %dma_start3A_82 = tpu.memref_slice %arg5[%dma_start3A_80, %dma_start3A_81] : memref<500000x128xf32, #tpu.memory_space<hbm>> -> memref<500000x128xf32, #tpu.memory_space<hbm>>
      tpu.enqueue_indirect_dma source(%dma_start3A_82 : memref<500000x128xf32, #tpu.memory_space<hbm>>) target(%dma_start3A_77 : memref<80x128xf32, #tpu.memory_space<vmem>>) offsets(%dma_start3A_79 : memref<80xi32, #tpu.memory_space<vmem>>) semaphore(%arg18 : memref<!tpu.dma_semaphore, #tpu.memory_space<semaphore_mem>>)
      %dma_wait3A = arith.constant 0 : i32
      %dma_wait3A_83 = arith.constant 0 : i32
      %dma_wait3A_84 = tpu.memref_slice %arg13[%dma_wait3A, %dma_wait3A_83] : memref<320x128xf32, #tpu.memory_space<vmem>> -> memref<80x128xf32, #tpu.memory_space<vmem>>
      %dma_wait3A_85 = arith.constant 0 : i32
      %dma_wait3A_86 = tpu.memref_slice %arg9[%dma_wait3A_85] : memref<320xi32, #tpu.memory_space<vmem>> -> memref<80xi32, #tpu.memory_space<vmem>>
      %dma_wait3A_87 = arith.constant 0 : i32
      %dma_wait3A_88 = arith.constant 0 : i32
      %dma_wait3A_89 = tpu.memref_slice %arg4[%dma_wait3A_87, %dma_wait3A_88] : memref<500000x128xf32, #tpu.memory_space<hbm>> -> memref<500000x128xf32, #tpu.memory_space<hbm>>
      tpu.wait_indirect_dma semaphore(%arg17 : memref<!tpu.dma_semaphore, #tpu.memory_space<semaphore_mem>>) src(%dma_wait3A_89 : memref<500000x128xf32, #tpu.memory_space<hbm>>) dst(%dma_wait3A_84 : memref<80x128xf32, #tpu.memory_space<vmem>>)
      %dma_wait3A_90 = arith.constant 0 : i32
      %dma_wait3A_91 = arith.constant 0 : i32
      %dma_wait3A_92 = tpu.memref_slice %arg14[%dma_wait3A_90, %dma_wait3A_91] : memref<320x128xf32, #tpu.memory_space<vmem>> -> memref<80x128xf32, #tpu.memory_space<vmem>>
      %dma_wait3A_93 = arith.constant 0 : i32
      %dma_wait3A_94 = tpu.memref_slice %arg10[%dma_wait3A_93] : memref<320xi32, #tpu.memory_space<vmem>> -> memref<80xi32, #tpu.memory_space<vmem>>
      %dma_wait3A_95 = arith.constant 0 : i32
      %dma_wait3A_96 = arith.constant 0 : i32
      %dma_wait3A_97 = tpu.memref_slice %arg5[%dma_wait3A_95, %dma_wait3A_96] : memref<500000x128xf32, #tpu.memory_space<hbm>> -> memref<500000x128xf32, #tpu.memory_space<hbm>>
      tpu.wait_indirect_dma semaphore(%arg18 : memref<!tpu.dma_semaphore, #tpu.memory_space<semaphore_mem>>) src(%dma_wait3A_97 : memref<500000x128xf32, #tpu.memory_space<hbm>>) dst(%dma_wait3A_92 : memref<80x128xf32, #tpu.memory_space<vmem>>)
      %dma_wait3A_98 = arith.constant 80 : i32
      %dma_wait3A_99 = arith.constant 0 : i32
      %dma_wait3A_100 = tpu.memref_slice %arg13[%dma_wait3A_98, %dma_wait3A_99] : memref<320x128xf32, #tpu.memory_space<vmem>> -> memref<80x128xf32, #tpu.memory_space<vmem>>
      %dma_wait3A_101 = arith.constant 80 : i32
      %dma_wait3A_102 = tpu.memref_slice %arg9[%dma_wait3A_101] : memref<320xi32, #tpu.memory_space<vmem>> -> memref<80xi32, #tpu.memory_space<vmem>>
      %dma_wait3A_103 = arith.constant 0 : i32
      %dma_wait3A_104 = arith.constant 0 : i32
      %dma_wait3A_105 = tpu.memref_slice %arg4[%dma_wait3A_103, %dma_wait3A_104] : memref<500000x128xf32, #tpu.memory_space<hbm>> -> memref<500000x128xf32, #tpu.memory_space<hbm>>
      tpu.wait_indirect_dma semaphore(%arg17 : memref<!tpu.dma_semaphore, #tpu.memory_space<semaphore_mem>>) src(%dma_wait3A_105 : memref<500000x128xf32, #tpu.memory_space<hbm>>) dst(%dma_wait3A_100 : memref<80x128xf32, #tpu.memory_space<vmem>>)
      %dma_wait3A_106 = arith.constant 80 : i32
      %dma_wait3A_107 = arith.constant 0 : i32
      %dma_wait3A_108 = tpu.memref_slice %arg14[%dma_wait3A_106, %dma_wait3A_107] : memref<320x128xf32, #tpu.memory_space<vmem>> -> memref<80x128xf32, #tpu.memory_space<vmem>>
      %dma_wait3A_109 = arith.constant 80 : i32
      %dma_wait3A_110 = tpu.memref_slice %arg10[%dma_wait3A_109] : memref<320xi32, #tpu.memory_space<vmem>> -> memref<80xi32, #tpu.memory_space<vmem>>
      %dma_wait3A_111 = arith.constant 0 : i32
      %dma_wait3A_112 = arith.constant 0 : i32
      %dma_wait3A_113 = tpu.memref_slice %arg5[%dma_wait3A_111, %dma_wait3A_112] : memref<500000x128xf32, #tpu.memory_space<hbm>> -> memref<500000x128xf32, #tpu.memory_space<hbm>>
      tpu.wait_indirect_dma semaphore(%arg18 : memref<!tpu.dma_semaphore, #tpu.memory_space<semaphore_mem>>) src(%dma_wait3A_113 : memref<500000x128xf32, #tpu.memory_space<hbm>>) dst(%dma_wait3A_108 : memref<80x128xf32, #tpu.memory_space<vmem>>)
      %dma_wait3A_114 = arith.constant 160 : i32
      %dma_wait3A_115 = arith.constant 0 : i32
      %dma_wait3A_116 = tpu.memref_slice %arg13[%dma_wait3A_114, %dma_wait3A_115] : memref<320x128xf32, #tpu.memory_space<vmem>> -> memref<80x128xf32, #tpu.memory_space<vmem>>
      %dma_wait3A_117 = arith.constant 160 : i32
      %dma_wait3A_118 = tpu.memref_slice %arg9[%dma_wait3A_117] : memref<320xi32, #tpu.memory_space<vmem>> -> memref<80xi32, #tpu.memory_space<vmem>>
      %dma_wait3A_119 = arith.constant 0 : i32
      %dma_wait3A_120 = arith.constant 0 : i32
      %dma_wait3A_121 = tpu.memref_slice %arg4[%dma_wait3A_119, %dma_wait3A_120] : memref<500000x128xf32, #tpu.memory_space<hbm>> -> memref<500000x128xf32, #tpu.memory_space<hbm>>
      tpu.wait_indirect_dma semaphore(%arg17 : memref<!tpu.dma_semaphore, #tpu.memory_space<semaphore_mem>>) src(%dma_wait3A_121 : memref<500000x128xf32, #tpu.memory_space<hbm>>) dst(%dma_wait3A_116 : memref<80x128xf32, #tpu.memory_space<vmem>>)
      %dma_wait3A_122 = arith.constant 160 : i32
      %dma_wait3A_123 = arith.constant 0 : i32
      %dma_wait3A_124 = tpu.memref_slice %arg14[%dma_wait3A_122, %dma_wait3A_123] : memref<320x128xf32, #tpu.memory_space<vmem>> -> memref<80x128xf32, #tpu.memory_space<vmem>>
      %dma_wait3A_125 = arith.constant 160 : i32
      %dma_wait3A_126 = tpu.memref_slice %arg10[%dma_wait3A_125] : memref<320xi32, #tpu.memory_space<vmem>> -> memref<80xi32, #tpu.memory_space<vmem>>
      %dma_wait3A_127 = arith.constant 0 : i32
      %dma_wait3A_128 = arith.constant 0 : i32
      %dma_wait3A_129 = tpu.memref_slice %arg5[%dma_wait3A_127, %dma_wait3A_128] : memref<500000x128xf32, #tpu.memory_space<hbm>> -> memref<500000x128xf32, #tpu.memory_space<hbm>>
      tpu.wait_indirect_dma semaphore(%arg18 : memref<!tpu.dma_semaphore, #tpu.memory_space<semaphore_mem>>) src(%dma_wait3A_129 : memref<500000x128xf32, #tpu.memory_space<hbm>>) dst(%dma_wait3A_124 : memref<80x128xf32, #tpu.memory_space<vmem>>)
      %dma_wait3A_130 = arith.constant 240 : i32
      %dma_wait3A_131 = arith.constant 0 : i32
      %dma_wait3A_132 = tpu.memref_slice %arg13[%dma_wait3A_130, %dma_wait3A_131] : memref<320x128xf32, #tpu.memory_space<vmem>> -> memref<80x128xf32, #tpu.memory_space<vmem>>
      %dma_wait3A_133 = arith.constant 240 : i32
      %dma_wait3A_134 = tpu.memref_slice %arg9[%dma_wait3A_133] : memref<320xi32, #tpu.memory_space<vmem>> -> memref<80xi32, #tpu.memory_space<vmem>>
      %dma_wait3A_135 = arith.constant 0 : i32
      %dma_wait3A_136 = arith.constant 0 : i32
      %dma_wait3A_137 = tpu.memref_slice %arg4[%dma_wait3A_135, %dma_wait3A_136] : memref<500000x128xf32, #tpu.memory_space<hbm>> -> memref<500000x128xf32, #tpu.memory_space<hbm>>
      tpu.wait_indirect_dma semaphore(%arg17 : memref<!tpu.dma_semaphore, #tpu.memory_space<semaphore_mem>>) src(%dma_wait3A_137 : memref<500000x128xf32, #tpu.memory_space<hbm>>) dst(%dma_wait3A_132 : memref<80x128xf32, #tpu.memory_space<vmem>>)
      %dma_wait3A_138 = arith.constant 240 : i32
      %dma_wait3A_139 = arith.constant 0 : i32
      %dma_wait3A_140 = tpu.memref_slice %arg14[%dma_wait3A_138, %dma_wait3A_139] : memref<320x128xf32, #tpu.memory_space<vmem>> -> memref<80x128xf32, #tpu.memory_space<vmem>>
      %dma_wait3A_141 = arith.constant 240 : i32
      %dma_wait3A_142 = tpu.memref_slice %arg10[%dma_wait3A_141] : memref<320xi32, #tpu.memory_space<vmem>> -> memref<80xi32, #tpu.memory_space<vmem>>
      %dma_wait3A_143 = arith.constant 0 : i32
      %dma_wait3A_144 = arith.constant 0 : i32
      %dma_wait3A_145 = tpu.memref_slice %arg5[%dma_wait3A_143, %dma_wait3A_144] : memref<500000x128xf32, #tpu.memory_space<hbm>> -> memref<500000x128xf32, #tpu.memory_space<hbm>>
      tpu.wait_indirect_dma semaphore(%arg18 : memref<!tpu.dma_semaphore, #tpu.memory_space<semaphore_mem>>) src(%dma_wait3A_145 : memref<500000x128xf32, #tpu.memory_space<hbm>>) dst(%dma_wait3A_140 : memref<80x128xf32, #tpu.memory_space<vmem>>)
      %scan3A_146 = arith.constant 0 : i32
      %scan3A_147 = arith.constant 0 : i32
      %scan3A_148 = arith.constant 16 : i32
      %scan3A_149 = arith.addi %scan3A_147, %scan3A_148 : i32
      %scan3A_150 = arith.constant 1 : i32
      scf.for %scan3A_158 = %scan3A_147 to %scan3A_149 step %scan3A_150  : i32 {
        %mul3A_159 = arith.constant 20 : i32
        %mul3A_160 = arith.muli %scan3A_158, %mul3A_159 : i32
        %get3A = arith.index_cast %mul3A_160 : i32 to index
        %get3A_161 = tpu.vector_load %arg11[%get3A] {strides = array<i32>} : memref<320xi32, #tpu.memory_space<vmem>>, vector<16xi32>,
        %add3A_162 = arith.constant 4 : i32
        %add3A_163 = arith.addi %mul3A_160, %add3A_162 : i32
        %get3A_164 = arith.index_cast %add3A_163 : i32 to index
        %get3A_165 = tpu.vector_load %arg11[%get3A_164] {strides = array<i32>} : memref<320xi32, #tpu.memory_space<vmem>>, vector<16xi32>,
        %slice3A = vector.extract_strided_slice %get3A_161 {offsets = [0], sizes = [1], strides = [1]} : vector<16xi32> to vector<1xi32>
        %squeeze3A = vector.extract %slice3A[0] : i32 from vector<1xi32>
        %add3A_166 = arith.constant 0 : i32
        %add3A_167 = arith.addi %squeeze3A, %add3A_166 : i32
        %get3A_168 = arith.index_cast %mul3A_160 : i32 to index
        %get3A_169 = arith.index_cast %add3A_167 : i32 to index
        %get3A_170 = tpu.vector_load %arg13[%get3A_168, %get3A_169] {strides = array<i32>} : memref<320x128xf32, #tpu.memory_space<vmem>>, vector<16xf32>,
        %slice3A_171 = vector.extract_strided_slice %get3A_161 {offsets = [1], sizes = [1], strides = [1]} : vector<16xi32> to vector<1xi32>
        %squeeze3A_172 = vector.extract %slice3A_171[0] : i32 from vector<1xi32>
        %add3A_173 = arith.constant 1 : i32
        %add3A_174 = arith.addi %mul3A_160, %add3A_173 : i32
        %add3A_175 = arith.constant 0 : i32
        %add3A_176 = arith.addi %squeeze3A_172, %add3A_175 : i32
        %get3A_177 = arith.index_cast %add3A_174 : i32 to index
        %get3A_178 = arith.index_cast %add3A_176 : i32 to index
        %get3A_179 = tpu.vector_load %arg13[%get3A_177, %get3A_178] {strides = array<i32>} : memref<320x128xf32, #tpu.memory_space<vmem>>, vector<16xf32>,
        %add3A_180 = arith.addf %get3A_170, %get3A_179 : vector<16xf32>
        %slice3A_181 = vector.extract_strided_slice %get3A_161 {offsets = [2], sizes = [1], strides = [1]} : vector<16xi32> to vector<1xi32>
        %squeeze3A_182 = vector.extract %slice3A_181[0] : i32 from vector<1xi32>
        %add3A_183 = arith.constant 2 : i32
        %add3A_184 = arith.addi %mul3A_160, %add3A_183 : i32
        %add3A_185 = arith.constant 0 : i32
        %add3A_186 = arith.addi %squeeze3A_182, %add3A_185 : i32
        %get3A_187 = arith.index_cast %add3A_184 : i32 to index
        %get3A_188 = arith.index_cast %add3A_186 : i32 to index
        %get3A_189 = tpu.vector_load %arg13[%get3A_187, %get3A_188] {strides = array<i32>} : memref<320x128xf32, #tpu.memory_space<vmem>>, vector<16xf32>,
        %add3A_190 = arith.addf %add3A_180, %get3A_189 : vector<16xf32>
        %slice3A_191 = vector.extract_strided_slice %get3A_161 {offsets = [3], sizes = [1], strides = [1]} : vector<16xi32> to vector<1xi32>
        %squeeze3A_192 = vector.extract %slice3A_191[0] : i32 from vector<1xi32>
        %add3A_193 = arith.constant 3 : i32
        %add3A_194 = arith.addi %mul3A_160, %add3A_193 : i32
        %add3A_195 = arith.constant 0 : i32
        %add3A_196 = arith.addi %squeeze3A_192, %add3A_195 : i32
        %get3A_197 = arith.index_cast %add3A_194 : i32 to index
        %get3A_198 = arith.index_cast %add3A_196 : i32 to index
        %get3A_199 = tpu.vector_load %arg13[%get3A_197, %get3A_198] {strides = array<i32>} : memref<320x128xf32, #tpu.memory_space<vmem>>, vector<16xf32>,
        %add3A_200 = arith.addf %add3A_190, %get3A_199 : vector<16xf32>
        %slice3A_201 = vector.extract_strided_slice %get3A_161 {offsets = [4], sizes = [1], strides = [1]} : vector<16xi32> to vector<1xi32>
        %squeeze3A_202 = vector.extract %slice3A_201[0] : i32 from vector<1xi32>
        %add3A_203 = arith.constant 4 : i32
        %add3A_204 = arith.addi %mul3A_160, %add3A_203 : i32
        %add3A_205 = arith.constant 0 : i32
        %add3A_206 = arith.addi %squeeze3A_202, %add3A_205 : i32
        %get3A_207 = arith.index_cast %add3A_204 : i32 to index
        %get3A_208 = arith.index_cast %add3A_206 : i32 to index
        %get3A_209 = tpu.vector_load %arg13[%get3A_207, %get3A_208] {strides = array<i32>} : memref<320x128xf32, #tpu.memory_space<vmem>>, vector<16xf32>,
        %add3A_210 = arith.addf %add3A_200, %get3A_209 : vector<16xf32>
        %slice3A_211 = vector.extract_strided_slice %get3A_161 {offsets = [5], sizes = [1], strides = [1]} : vector<16xi32> to vector<1xi32>
        %squeeze3A_212 = vector.extract %slice3A_211[0] : i32 from vector<1xi32>
        %add3A_213 = arith.constant 5 : i32
        %add3A_214 = arith.addi %mul3A_160, %add3A_213 : i32
        %add3A_215 = arith.constant 0 : i32
        %add3A_216 = arith.addi %squeeze3A_212, %add3A_215 : i32
        %get3A_217 = arith.index_cast %add3A_214 : i32 to index
        %get3A_218 = arith.index_cast %add3A_216 : i32 to index
        %get3A_219 = tpu.vector_load %arg13[%get3A_217, %get3A_218] {strides = array<i32>} : memref<320x128xf32, #tpu.memory_space<vmem>>, vector<16xf32>,
        %add3A_220 = arith.addf %add3A_210, %get3A_219 : vector<16xf32>
        %slice3A_221 = vector.extract_strided_slice %get3A_161 {offsets = [6], sizes = [1], strides = [1]} : vector<16xi32> to vector<1xi32>
        %squeeze3A_222 = vector.extract %slice3A_221[0] : i32 from vector<1xi32>
        %add3A_223 = arith.constant 6 : i32
        %add3A_224 = arith.addi %mul3A_160, %add3A_223 : i32
        %add3A_225 = arith.constant 0 : i32
        %add3A_226 = arith.addi %squeeze3A_222, %add3A_225 : i32
        %get3A_227 = arith.index_cast %add3A_224 : i32 to index
        %get3A_228 = arith.index_cast %add3A_226 : i32 to index
        %get3A_229 = tpu.vector_load %arg13[%get3A_227, %get3A_228] {strides = array<i32>} : memref<320x128xf32, #tpu.memory_space<vmem>>, vector<16xf32>,
        %add3A_230 = arith.addf %add3A_220, %get3A_229 : vector<16xf32>
        %slice3A_231 = vector.extract_strided_slice %get3A_161 {offsets = [7], sizes = [1], strides = [1]} : vector<16xi32> to vector<1xi32>
        %squeeze3A_232 = vector.extract %slice3A_231[0] : i32 from vector<1xi32>
        %add3A_233 = arith.constant 7 : i32
        %add3A_234 = arith.addi %mul3A_160, %add3A_233 : i32
        %add3A_235 = arith.constant 0 : i32
        %add3A_236 = arith.addi %squeeze3A_232, %add3A_235 : i32
        %get3A_237 = arith.index_cast %add3A_234 : i32 to index
        %get3A_238 = arith.index_cast %add3A_236 : i32 to index
        %get3A_239 = tpu.vector_load %arg13[%get3A_237, %get3A_238] {strides = array<i32>} : memref<320x128xf32, #tpu.memory_space<vmem>>, vector<16xf32>,
        %add3A_240 = arith.addf %add3A_230, %get3A_239 : vector<16xf32>
        %slice3A_241 = vector.extract_strided_slice %get3A_161 {offsets = [8], sizes = [1], strides = [1]} : vector<16xi32> to vector<1xi32>
        %squeeze3A_242 = vector.extract %slice3A_241[0] : i32 from vector<1xi32>
        %add3A_243 = arith.constant 8 : i32
        %add3A_244 = arith.addi %mul3A_160, %add3A_243 : i32
        %add3A_245 = arith.constant 0 : i32
        %add3A_246 = arith.addi %squeeze3A_242, %add3A_245 : i32
        %get3A_247 = arith.index_cast %add3A_244 : i32 to index
        %get3A_248 = arith.index_cast %add3A_246 : i32 to index
        %get3A_249 = tpu.vector_load %arg13[%get3A_247, %get3A_248] {strides = array<i32>} : memref<320x128xf32, #tpu.memory_space<vmem>>, vector<16xf32>,
        %add3A_250 = arith.addf %add3A_240, %get3A_249 : vector<16xf32>
        %slice3A_251 = vector.extract_strided_slice %get3A_161 {offsets = [9], sizes = [1], strides = [1]} : vector<16xi32> to vector<1xi32>
        %squeeze3A_252 = vector.extract %slice3A_251[0] : i32 from vector<1xi32>
        %add3A_253 = arith.constant 9 : i32
        %add3A_254 = arith.addi %mul3A_160, %add3A_253 : i32
        %add3A_255 = arith.constant 0 : i32
        %add3A_256 = arith.addi %squeeze3A_252, %add3A_255 : i32
        %get3A_257 = arith.index_cast %add3A_254 : i32 to index
        %get3A_258 = arith.index_cast %add3A_256 : i32 to index
        %get3A_259 = tpu.vector_load %arg13[%get3A_257, %get3A_258] {strides = array<i32>} : memref<320x128xf32, #tpu.memory_space<vmem>>, vector<16xf32>,
        %add3A_260 = arith.addf %add3A_250, %get3A_259 : vector<16xf32>
        %slice3A_261 = vector.extract_strided_slice %get3A_161 {offsets = [10], sizes = [1], strides = [1]} : vector<16xi32> to vector<1xi32>
        %squeeze3A_262 = vector.extract %slice3A_261[0] : i32 from vector<1xi32>
        %add3A_263 = arith.constant 10 : i32
        %add3A_264 = arith.addi %mul3A_160, %add3A_263 : i32
        %add3A_265 = arith.constant 0 : i32
        %add3A_266 = arith.addi %squeeze3A_262, %add3A_265 : i32
        %get3A_267 = arith.index_cast %add3A_264 : i32 to index
        %get3A_268 = arith.index_cast %add3A_266 : i32 to index
        %get3A_269 = tpu.vector_load %arg13[%get3A_267, %get3A_268] {strides = array<i32>} : memref<320x128xf32, #tpu.memory_space<vmem>>, vector<16xf32>,
        %add3A_270 = arith.addf %add3A_260, %get3A_269 : vector<16xf32>
        %slice3A_271 = vector.extract_strided_slice %get3A_161 {offsets = [11], sizes = [1], strides = [1]} : vector<16xi32> to vector<1xi32>
        %squeeze3A_272 = vector.extract %slice3A_271[0] : i32 from vector<1xi32>
        %add3A_273 = arith.constant 11 : i32
        %add3A_274 = arith.addi %mul3A_160, %add3A_273 : i32
        %add3A_275 = arith.constant 0 : i32
        %add3A_276 = arith.addi %squeeze3A_272, %add3A_275 : i32
        %get3A_277 = arith.index_cast %add3A_274 : i32 to index
        %get3A_278 = arith.index_cast %add3A_276 : i32 to index
        %get3A_279 = tpu.vector_load %arg13[%get3A_277, %get3A_278] {strides = array<i32>} : memref<320x128xf32, #tpu.memory_space<vmem>>, vector<16xf32>,
        %add3A_280 = arith.addf %add3A_270, %get3A_279 : vector<16xf32>
        %slice3A_281 = vector.extract_strided_slice %get3A_161 {offsets = [12], sizes = [1], strides = [1]} : vector<16xi32> to vector<1xi32>
        %squeeze3A_282 = vector.extract %slice3A_281[0] : i32 from vector<1xi32>
        %add3A_283 = arith.constant 12 : i32
        %add3A_284 = arith.addi %mul3A_160, %add3A_283 : i32
        %add3A_285 = arith.constant 0 : i32
        %add3A_286 = arith.addi %squeeze3A_282, %add3A_285 : i32
        %get3A_287 = arith.index_cast %add3A_284 : i32 to index
        %get3A_288 = arith.index_cast %add3A_286 : i32 to index
        %get3A_289 = tpu.vector_load %arg13[%get3A_287, %get3A_288] {strides = array<i32>} : memref<320x128xf32, #tpu.memory_space<vmem>>, vector<16xf32>,
        %add3A_290 = arith.addf %add3A_280, %get3A_289 : vector<16xf32>
        %slice3A_291 = vector.extract_strided_slice %get3A_161 {offsets = [13], sizes = [1], strides = [1]} : vector<16xi32> to vector<1xi32>
        %squeeze3A_292 = vector.extract %slice3A_291[0] : i32 from vector<1xi32>
        %add3A_293 = arith.constant 13 : i32
        %add3A_294 = arith.addi %mul3A_160, %add3A_293 : i32
        %add3A_295 = arith.constant 0 : i32
        %add3A_296 = arith.addi %squeeze3A_292, %add3A_295 : i32
        %get3A_297 = arith.index_cast %add3A_294 : i32 to index
        %get3A_298 = arith.index_cast %add3A_296 : i32 to index
        %get3A_299 = tpu.vector_load %arg13[%get3A_297, %get3A_298] {strides = array<i32>} : memref<320x128xf32, #tpu.memory_space<vmem>>, vector<16xf32>,
        %add3A_300 = arith.addf %add3A_290, %get3A_299 : vector<16xf32>
        %slice3A_301 = vector.extract_strided_slice %get3A_161 {offsets = [14], sizes = [1], strides = [1]} : vector<16xi32> to vector<1xi32>
        %squeeze3A_302 = vector.extract %slice3A_301[0] : i32 from vector<1xi32>
        %add3A_303 = arith.constant 14 : i32
        %add3A_304 = arith.addi %mul3A_160, %add3A_303 : i32
        %add3A_305 = arith.constant 0 : i32
        %add3A_306 = arith.addi %squeeze3A_302, %add3A_305 : i32
        %get3A_307 = arith.index_cast %add3A_304 : i32 to index
        %get3A_308 = arith.index_cast %add3A_306 : i32 to index
        %get3A_309 = tpu.vector_load %arg13[%get3A_307, %get3A_308] {strides = array<i32>} : memref<320x128xf32, #tpu.memory_space<vmem>>, vector<16xf32>,
        %add3A_310 = arith.addf %add3A_300, %get3A_309 : vector<16xf32>
        %slice3A_311 = vector.extract_strided_slice %get3A_161 {offsets = [15], sizes = [1], strides = [1]} : vector<16xi32> to vector<1xi32>
        %squeeze3A_312 = vector.extract %slice3A_311[0] : i32 from vector<1xi32>
        %add3A_313 = arith.constant 15 : i32
        %add3A_314 = arith.addi %mul3A_160, %add3A_313 : i32
        %add3A_315 = arith.constant 0 : i32
        %add3A_316 = arith.addi %squeeze3A_312, %add3A_315 : i32
        %get3A_317 = arith.index_cast %add3A_314 : i32 to index
        %get3A_318 = arith.index_cast %add3A_316 : i32 to index
        %get3A_319 = tpu.vector_load %arg13[%get3A_317, %get3A_318] {strides = array<i32>} : memref<320x128xf32, #tpu.memory_space<vmem>>, vector<16xf32>,
        %add3A_320 = arith.addf %add3A_310, %get3A_319 : vector<16xf32>
        %slice3A_321 = vector.extract_strided_slice %get3A_165 {offsets = [12], sizes = [1], strides = [1]} : vector<16xi32> to vector<1xi32>
        %squeeze3A_322 = vector.extract %slice3A_321[0] : i32 from vector<1xi32>
        %add3A_323 = arith.constant 16 : i32
        %add3A_324 = arith.addi %mul3A_160, %add3A_323 : i32
        %add3A_325 = arith.constant 0 : i32
        %add3A_326 = arith.addi %squeeze3A_322, %add3A_325 : i32
        %get3A_327 = arith.index_cast %add3A_324 : i32 to index
        %get3A_328 = arith.index_cast %add3A_326 : i32 to index
        %get3A_329 = tpu.vector_load %arg13[%get3A_327, %get3A_328] {strides = array<i32>} : memref<320x128xf32, #tpu.memory_space<vmem>>, vector<16xf32>,
        %add3A_330 = arith.addf %add3A_320, %get3A_329 : vector<16xf32>
        %slice3A_331 = vector.extract_strided_slice %get3A_165 {offsets = [13], sizes = [1], strides = [1]} : vector<16xi32> to vector<1xi32>
        %squeeze3A_332 = vector.extract %slice3A_331[0] : i32 from vector<1xi32>
        %add3A_333 = arith.constant 17 : i32
        %add3A_334 = arith.addi %mul3A_160, %add3A_333 : i32
        %add3A_335 = arith.constant 0 : i32
        %add3A_336 = arith.addi %squeeze3A_332, %add3A_335 : i32
        %get3A_337 = arith.index_cast %add3A_334 : i32 to index
        %get3A_338 = arith.index_cast %add3A_336 : i32 to index
        %get3A_339 = tpu.vector_load %arg13[%get3A_337, %get3A_338] {strides = array<i32>} : memref<320x128xf32, #tpu.memory_space<vmem>>, vector<16xf32>,
        %add3A_340 = arith.addf %add3A_330, %get3A_339 : vector<16xf32>
        %slice3A_341 = vector.extract_strided_slice %get3A_165 {offsets = [14], sizes = [1], strides = [1]} : vector<16xi32> to vector<1xi32>
        %squeeze3A_342 = vector.extract %slice3A_341[0] : i32 from vector<1xi32>
        %add3A_343 = arith.constant 18 : i32
        %add3A_344 = arith.addi %mul3A_160, %add3A_343 : i32
        %add3A_345 = arith.constant 0 : i32
        %add3A_346 = arith.addi %squeeze3A_342, %add3A_345 : i32
        %get3A_347 = arith.index_cast %add3A_344 : i32 to index
        %get3A_348 = arith.index_cast %add3A_346 : i32 to index
        %get3A_349 = tpu.vector_load %arg13[%get3A_347, %get3A_348] {strides = array<i32>} : memref<320x128xf32, #tpu.memory_space<vmem>>, vector<16xf32>,
        %add3A_350 = arith.addf %add3A_340, %get3A_349 : vector<16xf32>
        %slice3A_351 = vector.extract_strided_slice %get3A_165 {offsets = [15], sizes = [1], strides = [1]} : vector<16xi32> to vector<1xi32>
        %squeeze3A_352 = vector.extract %slice3A_351[0] : i32 from vector<1xi32>
        %add3A_353 = arith.constant 19 : i32
        %add3A_354 = arith.addi %mul3A_160, %add3A_353 : i32
        %add3A_355 = arith.constant 0 : i32
        %add3A_356 = arith.addi %squeeze3A_352, %add3A_355 : i32
        %get3A_357 = arith.index_cast %add3A_354 : i32 to index
        %get3A_358 = arith.index_cast %add3A_356 : i32 to index
        %get3A_359 = tpu.vector_load %arg13[%get3A_357, %get3A_358] {strides = array<i32>} : memref<320x128xf32, #tpu.memory_space<vmem>>, vector<16xf32>,
        %add3A_360 = arith.addf %add3A_350, %get3A_359 : vector<16xf32>
        %swap3A = arith.index_cast %scan3A_158 : i32 to index
        %swap3A_361 = arith.constant 0 : index
        %swap3A_362 = tpu.vector_load %arg15[%swap3A, %swap3A_361] {strides = array<i32>} : memref<16x64xf32, #tpu.memory_space<vmem>>, vector<16xf32>,
        tpu.vector_store %arg15[%swap3A, %swap3A_361], %add3A_360 {strides = array<i32>} : memref<16x64xf32, #tpu.memory_space<vmem>>, vector<16xf32>,
        %slice3A_363 = vector.extract_strided_slice %get3A_161 {offsets = [0], sizes = [1], strides = [1]} : vector<16xi32> to vector<1xi32>
        %squeeze3A_364 = vector.extract %slice3A_363[0] : i32 from vector<1xi32>
        %add3A_365 = arith.constant 16 : i32
        %add3A_366 = arith.addi %squeeze3A_364, %add3A_365 : i32
        %get3A_367 = arith.index_cast %mul3A_160 : i32 to index
        %get3A_368 = arith.index_cast %add3A_366 : i32 to index
        %get3A_369 = tpu.vector_load %arg13[%get3A_367, %get3A_368] {strides = array<i32>} : memref<320x128xf32, #tpu.memory_space<vmem>>, vector<16xf32>,
        %slice3A_370 = vector.extract_strided_slice %get3A_161 {offsets = [1], sizes = [1], strides = [1]} : vector<16xi32> to vector<1xi32>
        %squeeze3A_371 = vector.extract %slice3A_370[0] : i32 from vector<1xi32>
        %add3A_372 = arith.constant 1 : i32
        %add3A_373 = arith.addi %mul3A_160, %add3A_372 : i32
        %add3A_374 = arith.constant 16 : i32
        %add3A_375 = arith.addi %squeeze3A_371, %add3A_374 : i32
        %get3A_376 = arith.index_cast %add3A_373 : i32 to index
        %get3A_377 = arith.index_cast %add3A_375 : i32 to index
        %get3A_378 = tpu.vector_load %arg13[%get3A_376, %get3A_377] {strides = array<i32>} : memref<320x128xf32, #tpu.memory_space<vmem>>, vector<16xf32>,
        %add3A_379 = arith.addf %get3A_369, %get3A_378 : vector<16xf32>
        %slice3A_380 = vector.extract_strided_slice %get3A_161 {offsets = [2], sizes = [1], strides = [1]} : vector<16xi32> to vector<1xi32>
        %squeeze3A_381 = vector.extract %slice3A_380[0] : i32 from vector<1xi32>
        %add3A_382 = arith.constant 2 : i32
        %add3A_383 = arith.addi %mul3A_160, %add3A_382 : i32
        %add3A_384 = arith.constant 16 : i32
        %add3A_385 = arith.addi %squeeze3A_381, %add3A_384 : i32
        %get3A_386 = arith.index_cast %add3A_383 : i32 to index
        %get3A_387 = arith.index_cast %add3A_385 : i32 to index
        %get3A_388 = tpu.vector_load %arg13[%get3A_386, %get3A_387] {strides = array<i32>} : memref<320x128xf32, #tpu.memory_space<vmem>>, vector<16xf32>,
        %add3A_389 = arith.addf %add3A_379, %get3A_388 : vector<16xf32>
        %slice3A_390 = vector.extract_strided_slice %get3A_161 {offsets = [3], sizes = [1], strides = [1]} : vector<16xi32> to vector<1xi32>
        %squeeze3A_391 = vector.extract %slice3A_390[0] : i32 from vector<1xi32>
        %add3A_392 = arith.constant 3 : i32
        %add3A_393 = arith.addi %mul3A_160, %add3A_392 : i32
        %add3A_394 = arith.constant 16 : i32
        %add3A_395 = arith.addi %squeeze3A_391, %add3A_394 : i32
        %get3A_396 = arith.index_cast %add3A_393 : i32 to index
        %get3A_397 = arith.index_cast %add3A_395 : i32 to index
        %get3A_398 = tpu.vector_load %arg13[%get3A_396, %get3A_397] {strides = array<i32>} : memref<320x128xf32, #tpu.memory_space<vmem>>, vector<16xf32>,
        %add3A_399 = arith.addf %add3A_389, %get3A_398 : vector<16xf32>
        %slice3A_400 = vector.extract_strided_slice %get3A_161 {offsets = [4], sizes = [1], strides = [1]} : vector<16xi32> to vector<1xi32>
        %squeeze3A_401 = vector.extract %slice3A_400[0] : i32 from vector<1xi32>
        %add3A_402 = arith.constant 4 : i32
        %add3A_403 = arith.addi %mul3A_160, %add3A_402 : i32
        %add3A_404 = arith.constant 16 : i32
        %add3A_405 = arith.addi %squeeze3A_401, %add3A_404 : i32
        %get3A_406 = arith.index_cast %add3A_403 : i32 to index
        %get3A_407 = arith.index_cast %add3A_405 : i32 to index
        %get3A_408 = tpu.vector_load %arg13[%get3A_406, %get3A_407] {strides = array<i32>} : memref<320x128xf32, #tpu.memory_space<vmem>>, vector<16xf32>,
        %add3A_409 = arith.addf %add3A_399, %get3A_408 : vector<16xf32>
        %slice3A_410 = vector.extract_strided_slice %get3A_161 {offsets = [5], sizes = [1], strides = [1]} : vector<16xi32> to vector<1xi32>
        %squeeze3A_411 = vector.extract %slice3A_410[0] : i32 from vector<1xi32>
        %add3A_412 = arith.constant 5 : i32
        %add3A_413 = arith.addi %mul3A_160, %add3A_412 : i32
        %add3A_414 = arith.constant 16 : i32
        %add3A_415 = arith.addi %squeeze3A_411, %add3A_414 : i32
        %get3A_416 = arith.index_cast %add3A_413 : i32 to index
        %get3A_417 = arith.index_cast %add3A_415 : i32 to index
        %get3A_418 = tpu.vector_load %arg13[%get3A_416, %get3A_417] {strides = array<i32>} : memref<320x128xf32, #tpu.memory_space<vmem>>, vector<16xf32>,
        %add3A_419 = arith.addf %add3A_409, %get3A_418 : vector<16xf32>
        %slice3A_420 = vector.extract_strided_slice %get3A_161 {offsets = [6], sizes = [1], strides = [1]} : vector<16xi32> to vector<1xi32>
        %squeeze3A_421 = vector.extract %slice3A_420[0] : i32 from vector<1xi32>
        %add3A_422 = arith.constant 6 : i32
        %add3A_423 = arith.addi %mul3A_160, %add3A_422 : i32
        %add3A_424 = arith.constant 16 : i32
        %add3A_425 = arith.addi %squeeze3A_421, %add3A_424 : i32
        %get3A_426 = arith.index_cast %add3A_423 : i32 to index
        %get3A_427 = arith.index_cast %add3A_425 : i32 to index
        %get3A_428 = tpu.vector_load %arg13[%get3A_426, %get3A_427] {strides = array<i32>} : memref<320x128xf32, #tpu.memory_space<vmem>>, vector<16xf32>,
        %add3A_429 = arith.addf %add3A_419, %get3A_428 : vector<16xf32>
        %slice3A_430 = vector.extract_strided_slice %get3A_161 {offsets = [7], sizes = [1], strides = [1]} : vector<16xi32> to vector<1xi32>
        %squeeze3A_431 = vector.extract %slice3A_430[0] : i32 from vector<1xi32>
        %add3A_432 = arith.constant 7 : i32
        %add3A_433 = arith.addi %mul3A_160, %add3A_432 : i32
        %add3A_434 = arith.constant 16 : i32
        %add3A_435 = arith.addi %squeeze3A_431, %add3A_434 : i32
        %get3A_436 = arith.index_cast %add3A_433 : i32 to index
        %get3A_437 = arith.index_cast %add3A_435 : i32 to index
        %get3A_438 = tpu.vector_load %arg13[%get3A_436, %get3A_437] {strides = array<i32>} : memref<320x128xf32, #tpu.memory_space<vmem>>, vector<16xf32>,
        %add3A_439 = arith.addf %add3A_429, %get3A_438 : vector<16xf32>
        %slice3A_440 = vector.extract_strided_slice %get3A_161 {offsets = [8], sizes = [1], strides = [1]} : vector<16xi32> to vector<1xi32>
        %squeeze3A_441 = vector.extract %slice3A_440[0] : i32 from vector<1xi32>
        %add3A_442 = arith.constant 8 : i32
        %add3A_443 = arith.addi %mul3A_160, %add3A_442 : i32
        %add3A_444 = arith.constant 16 : i32
        %add3A_445 = arith.addi %squeeze3A_441, %add3A_444 : i32
        %get3A_446 = arith.index_cast %add3A_443 : i32 to index
        %get3A_447 = arith.index_cast %add3A_445 : i32 to index
        %get3A_448 = tpu.vector_load %arg13[%get3A_446, %get3A_447] {strides = array<i32>} : memref<320x128xf32, #tpu.memory_space<vmem>>, vector<16xf32>,
        %add3A_449 = arith.addf %add3A_439, %get3A_448 : vector<16xf32>
        %slice3A_450 = vector.extract_strided_slice %get3A_161 {offsets = [9], sizes = [1], strides = [1]} : vector<16xi32> to vector<1xi32>
        %squeeze3A_451 = vector.extract %slice3A_450[0] : i32 from vector<1xi32>
        %add3A_452 = arith.constant 9 : i32
        %add3A_453 = arith.addi %mul3A_160, %add3A_452 : i32
        %add3A_454 = arith.constant 16 : i32
        %add3A_455 = arith.addi %squeeze3A_451, %add3A_454 : i32
        %get3A_456 = arith.index_cast %add3A_453 : i32 to index
        %get3A_457 = arith.index_cast %add3A_455 : i32 to index
        %get3A_458 = tpu.vector_load %arg13[%get3A_456, %get3A_457] {strides = array<i32>} : memref<320x128xf32, #tpu.memory_space<vmem>>, vector<16xf32>,
        %add3A_459 = arith.addf %add3A_449, %get3A_458 : vector<16xf32>
        %slice3A_460 = vector.extract_strided_slice %get3A_161 {offsets = [10], sizes = [1], strides = [1]} : vector<16xi32> to vector<1xi32>
        %squeeze3A_461 = vector.extract %slice3A_460[0] : i32 from vector<1xi32>
        %add3A_462 = arith.constant 10 : i32
        %add3A_463 = arith.addi %mul3A_160, %add3A_462 : i32
        %add3A_464 = arith.constant 16 : i32
        %add3A_465 = arith.addi %squeeze3A_461, %add3A_464 : i32
        %get3A_466 = arith.index_cast %add3A_463 : i32 to index
        %get3A_467 = arith.index_cast %add3A_465 : i32 to index
        %get3A_468 = tpu.vector_load %arg13[%get3A_466, %get3A_467] {strides = array<i32>} : memref<320x128xf32, #tpu.memory_space<vmem>>, vector<16xf32>,
        %add3A_469 = arith.addf %add3A_459, %get3A_468 : vector<16xf32>
        %slice3A_470 = vector.extract_strided_slice %get3A_161 {offsets = [11], sizes = [1], strides = [1]} : vector<16xi32> to vector<1xi32>
        %squeeze3A_471 = vector.extract %slice3A_470[0] : i32 from vector<1xi32>
        %add3A_472 = arith.constant 11 : i32
        %add3A_473 = arith.addi %mul3A_160, %add3A_472 : i32
        %add3A_474 = arith.constant 16 : i32
        %add3A_475 = arith.addi %squeeze3A_471, %add3A_474 : i32
        %get3A_476 = arith.index_cast %add3A_473 : i32 to index
        %get3A_477 = arith.index_cast %add3A_475 : i32 to index
        %get3A_478 = tpu.vector_load %arg13[%get3A_476, %get3A_477] {strides = array<i32>} : memref<320x128xf32, #tpu.memory_space<vmem>>, vector<16xf32>,
        %add3A_479 = arith.addf %add3A_469, %get3A_478 : vector<16xf32>
        %slice3A_480 = vector.extract_strided_slice %get3A_161 {offsets = [12], sizes = [1], strides = [1]} : vector<16xi32> to vector<1xi32>
        %squeeze3A_481 = vector.extract %slice3A_480[0] : i32 from vector<1xi32>
        %add3A_482 = arith.constant 12 : i32
        %add3A_483 = arith.addi %mul3A_160, %add3A_482 : i32
        %add3A_484 = arith.constant 16 : i32
        %add3A_485 = arith.addi %squeeze3A_481, %add3A_484 : i32
        %get3A_486 = arith.index_cast %add3A_483 : i32 to index
        %get3A_487 = arith.index_cast %add3A_485 : i32 to index
        %get3A_488 = tpu.vector_load %arg13[%get3A_486, %get3A_487] {strides = array<i32>} : memref<320x128xf32, #tpu.memory_space<vmem>>, vector<16xf32>,
        %add3A_489 = arith.addf %add3A_479, %get3A_488 : vector<16xf32>
        %slice3A_490 = vector.extract_strided_slice %get3A_161 {offsets = [13], sizes = [1], strides = [1]} : vector<16xi32> to vector<1xi32>
        %squeeze3A_491 = vector.extract %slice3A_490[0] : i32 from vector<1xi32>
        %add3A_492 = arith.constant 13 : i32
        %add3A_493 = arith.addi %mul3A_160, %add3A_492 : i32
        %add3A_494 = arith.constant 16 : i32
        %add3A_495 = arith.addi %squeeze3A_491, %add3A_494 : i32
        %get3A_496 = arith.index_cast %add3A_493 : i32 to index
        %get3A_497 = arith.index_cast %add3A_495 : i32 to index
        %get3A_498 = tpu.vector_load %arg13[%get3A_496, %get3A_497] {strides = array<i32>} : memref<320x128xf32, #tpu.memory_space<vmem>>, vector<16xf32>,
        %add3A_499 = arith.addf %add3A_489, %get3A_498 : vector<16xf32>
        %slice3A_500 = vector.extract_strided_slice %get3A_161 {offsets = [14], sizes = [1], strides = [1]} : vector<16xi32> to vector<1xi32>
        %squeeze3A_501 = vector.extract %slice3A_500[0] : i32 from vector<1xi32>
        %add3A_502 = arith.constant 14 : i32
        %add3A_503 = arith.addi %mul3A_160, %add3A_502 : i32
        %add3A_504 = arith.constant 16 : i32
        %add3A_505 = arith.addi %squeeze3A_501, %add3A_504 : i32
        %get3A_506 = arith.index_cast %add3A_503 : i32 to index
        %get3A_507 = arith.index_cast %add3A_505 : i32 to index
        %get3A_508 = tpu.vector_load %arg13[%get3A_506, %get3A_507] {strides = array<i32>} : memref<320x128xf32, #tpu.memory_space<vmem>>, vector<16xf32>,
        %add3A_509 = arith.addf %add3A_499, %get3A_508 : vector<16xf32>
        %slice3A_510 = vector.extract_strided_slice %get3A_161 {offsets = [15], sizes = [1], strides = [1]} : vector<16xi32> to vector<1xi32>
        %squeeze3A_511 = vector.extract %slice3A_510[0] : i32 from vector<1xi32>
        %add3A_512 = arith.constant 15 : i32
        %add3A_513 = arith.addi %mul3A_160, %add3A_512 : i32
        %add3A_514 = arith.constant 16 : i32
        %add3A_515 = arith.addi %squeeze3A_511, %add3A_514 : i32
        %get3A_516 = arith.index_cast %add3A_513 : i32 to index
        %get3A_517 = arith.index_cast %add3A_515 : i32 to index
        %get3A_518 = tpu.vector_load %arg13[%get3A_516, %get3A_517] {strides = array<i32>} : memref<320x128xf32, #tpu.memory_space<vmem>>, vector<16xf32>,
        %add3A_519 = arith.addf %add3A_509, %get3A_518 : vector<16xf32>
        %slice3A_520 = vector.extract_strided_slice %get3A_165 {offsets = [12], sizes = [1], strides = [1]} : vector<16xi32> to vector<1xi32>
        %squeeze3A_521 = vector.extract %slice3A_520[0] : i32 from vector<1xi32>
        %add3A_522 = arith.constant 16 : i32
        %add3A_523 = arith.addi %mul3A_160, %add3A_522 : i32
        %add3A_524 = arith.constant 16 : i32
        %add3A_525 = arith.addi %squeeze3A_521, %add3A_524 : i32
        %get3A_526 = arith.index_cast %add3A_523 : i32 to index
        %get3A_527 = arith.index_cast %add3A_525 : i32 to index
        %get3A_528 = tpu.vector_load %arg13[%get3A_526, %get3A_527] {strides = array<i32>} : memref<320x128xf32, #tpu.memory_space<vmem>>, vector<16xf32>,
        %add3A_529 = arith.addf %add3A_519, %get3A_528 : vector<16xf32>
        %slice3A_530 = vector.extract_strided_slice %get3A_165 {offsets = [13], sizes = [1], strides = [1]} : vector<16xi32> to vector<1xi32>
        %squeeze3A_531 = vector.extract %slice3A_530[0] : i32 from vector<1xi32>
        %add3A_532 = arith.constant 17 : i32
        %add3A_533 = arith.addi %mul3A_160, %add3A_532 : i32
        %add3A_534 = arith.constant 16 : i32
        %add3A_535 = arith.addi %squeeze3A_531, %add3A_534 : i32
        %get3A_536 = arith.index_cast %add3A_533 : i32 to index
        %get3A_537 = arith.index_cast %add3A_535 : i32 to index
        %get3A_538 = tpu.vector_load %arg13[%get3A_536, %get3A_537] {strides = array<i32>} : memref<320x128xf32, #tpu.memory_space<vmem>>, vector<16xf32>,
        %add3A_539 = arith.addf %add3A_529, %get3A_538 : vector<16xf32>
        %slice3A_540 = vector.extract_strided_slice %get3A_165 {offsets = [14], sizes = [1], strides = [1]} : vector<16xi32> to vector<1xi32>
        %squeeze3A_541 = vector.extract %slice3A_540[0] : i32 from vector<1xi32>
        %add3A_542 = arith.constant 18 : i32
        %add3A_543 = arith.addi %mul3A_160, %add3A_542 : i32
        %add3A_544 = arith.constant 16 : i32
        %add3A_545 = arith.addi %squeeze3A_541, %add3A_544 : i32
        %get3A_546 = arith.index_cast %add3A_543 : i32 to index
        %get3A_547 = arith.index_cast %add3A_545 : i32 to index
        %get3A_548 = tpu.vector_load %arg13[%get3A_546, %get3A_547] {strides = array<i32>} : memref<320x128xf32, #tpu.memory_space<vmem>>, vector<16xf32>,
        %add3A_549 = arith.addf %add3A_539, %get3A_548 : vector<16xf32>
        %slice3A_550 = vector.extract_strided_slice %get3A_165 {offsets = [15], sizes = [1], strides = [1]} : vector<16xi32> to vector<1xi32>
        %squeeze3A_551 = vector.extract %slice3A_550[0] : i32 from vector<1xi32>
        %add3A_552 = arith.constant 19 : i32
        %add3A_553 = arith.addi %mul3A_160, %add3A_552 : i32
        %add3A_554 = arith.constant 16 : i32
        %add3A_555 = arith.addi %squeeze3A_551, %add3A_554 : i32
        %get3A_556 = arith.index_cast %add3A_553 : i32 to index
        %get3A_557 = arith.index_cast %add3A_555 : i32 to index
        %get3A_558 = tpu.vector_load %arg13[%get3A_556, %get3A_557] {strides = array<i32>} : memref<320x128xf32, #tpu.memory_space<vmem>>, vector<16xf32>,
        %add3A_559 = arith.addf %add3A_549, %get3A_558 : vector<16xf32>
        %swap3A_560 = arith.index_cast %scan3A_158 : i32 to index
        %swap3A_561 = arith.constant 16 : index
        %swap3A_562 = tpu.vector_load %arg15[%swap3A_560, %swap3A_561] {strides = array<i32>} : memref<16x64xf32, #tpu.memory_space<vmem>>, vector<16xf32>,
        tpu.vector_store %arg15[%swap3A_560, %swap3A_561], %add3A_559 {strides = array<i32>} : memref<16x64xf32, #tpu.memory_space<vmem>>, vector<16xf32>,
        %slice3A_563 = vector.extract_strided_slice %get3A_161 {offsets = [0], sizes = [1], strides = [1]} : vector<16xi32> to vector<1xi32>
        %squeeze3A_564 = vector.extract %slice3A_563[0] : i32 from vector<1xi32>
        %add3A_565 = arith.constant 32 : i32
        %add3A_566 = arith.addi %squeeze3A_564, %add3A_565 : i32
        %get3A_567 = arith.index_cast %mul3A_160 : i32 to index
        %get3A_568 = arith.index_cast %add3A_566 : i32 to index
        %get3A_569 = tpu.vector_load %arg13[%get3A_567, %get3A_568] {strides = array<i32>} : memref<320x128xf32, #tpu.memory_space<vmem>>, vector<16xf32>,
        %slice3A_570 = vector.extract_strided_slice %get3A_161 {offsets = [1], sizes = [1], strides = [1]} : vector<16xi32> to vector<1xi32>
        %squeeze3A_571 = vector.extract %slice3A_570[0] : i32 from vector<1xi32>
        %add3A_572 = arith.constant 1 : i32
        %add3A_573 = arith.addi %mul3A_160, %add3A_572 : i32
        %add3A_574 = arith.constant 32 : i32
        %add3A_575 = arith.addi %squeeze3A_571, %add3A_574 : i32
        %get3A_576 = arith.index_cast %add3A_573 : i32 to index
        %get3A_577 = arith.index_cast %add3A_575 : i32 to index
        %get3A_578 = tpu.vector_load %arg13[%get3A_576, %get3A_577] {strides = array<i32>} : memref<320x128xf32, #tpu.memory_space<vmem>>, vector<16xf32>,
        %add3A_579 = arith.addf %get3A_569, %get3A_578 : vector<16xf32>
        %slice3A_580 = vector.extract_strided_slice %get3A_161 {offsets = [2], sizes = [1], strides = [1]} : vector<16xi32> to vector<1xi32>
        %squeeze3A_581 = vector.extract %slice3A_580[0] : i32 from vector<1xi32>
        %add3A_582 = arith.constant 2 : i32
        %add3A_583 = arith.addi %mul3A_160, %add3A_582 : i32
        %add3A_584 = arith.constant 32 : i32
        %add3A_585 = arith.addi %squeeze3A_581, %add3A_584 : i32
        %get3A_586 = arith.index_cast %add3A_583 : i32 to index
        %get3A_587 = arith.index_cast %add3A_585 : i32 to index
        %get3A_588 = tpu.vector_load %arg13[%get3A_586, %get3A_587] {strides = array<i32>} : memref<320x128xf32, #tpu.memory_space<vmem>>, vector<16xf32>,
        %add3A_589 = arith.addf %add3A_579, %get3A_588 : vector<16xf32>
        %slice3A_590 = vector.extract_strided_slice %get3A_161 {offsets = [3], sizes = [1], strides = [1]} : vector<16xi32> to vector<1xi32>
        %squeeze3A_591 = vector.extract %slice3A_590[0] : i32 from vector<1xi32>
        %add3A_592 = arith.constant 3 : i32
        %add3A_593 = arith.addi %mul3A_160, %add3A_592 : i32
        %add3A_594 = arith.constant 32 : i32
        %add3A_595 = arith.addi %squeeze3A_591, %add3A_594 : i32
        %get3A_596 = arith.index_cast %add3A_593 : i32 to index
        %get3A_597 = arith.index_cast %add3A_595 : i32 to index
        %get3A_598 = tpu.vector_load %arg13[%get3A_596, %get3A_597] {strides = array<i32>} : memref<320x128xf32, #tpu.memory_space<vmem>>, vector<16xf32>,
        %add3A_599 = arith.addf %add3A_589, %get3A_598 : vector<16xf32>
        %slice3A_600 = vector.extract_strided_slice %get3A_161 {offsets = [4], sizes = [1], strides = [1]} : vector<16xi32> to vector<1xi32>
        %squeeze3A_601 = vector.extract %slice3A_600[0] : i32 from vector<1xi32>
        %add3A_602 = arith.constant 4 : i32
        %add3A_603 = arith.addi %mul3A_160, %add3A_602 : i32
        %add3A_604 = arith.constant 32 : i32
        %add3A_605 = arith.addi %squeeze3A_601, %add3A_604 : i32
        %get3A_606 = arith.index_cast %add3A_603 : i32 to index
        %get3A_607 = arith.index_cast %add3A_605 : i32 to index
        %get3A_608 = tpu.vector_load %arg13[%get3A_606, %get3A_607] {strides = array<i32>} : memref<320x128xf32, #tpu.memory_space<vmem>>, vector<16xf32>,
        %add3A_609 = arith.addf %add3A_599, %get3A_608 : vector<16xf32>
        %slice3A_610 = vector.extract_strided_slice %get3A_161 {offsets = [5], sizes = [1], strides = [1]} : vector<16xi32> to vector<1xi32>
        %squeeze3A_611 = vector.extract %slice3A_610[0] : i32 from vector<1xi32>
        %add3A_612 = arith.constant 5 : i32
        %add3A_613 = arith.addi %mul3A_160, %add3A_612 : i32
        %add3A_614 = arith.constant 32 : i32
        %add3A_615 = arith.addi %squeeze3A_611, %add3A_614 : i32
        %get3A_616 = arith.index_cast %add3A_613 : i32 to index
        %get3A_617 = arith.index_cast %add3A_615 : i32 to index
        %get3A_618 = tpu.vector_load %arg13[%get3A_616, %get3A_617] {strides = array<i32>} : memref<320x128xf32, #tpu.memory_space<vmem>>, vector<16xf32>,
        %add3A_619 = arith.addf %add3A_609, %get3A_618 : vector<16xf32>
        %slice3A_620 = vector.extract_strided_slice %get3A_161 {offsets = [6], sizes = [1], strides = [1]} : vector<16xi32> to vector<1xi32>
        %squeeze3A_621 = vector.extract %slice3A_620[0] : i32 from vector<1xi32>
        %add3A_622 = arith.constant 6 : i32
        %add3A_623 = arith.addi %mul3A_160, %add3A_622 : i32
        %add3A_624 = arith.constant 32 : i32
        %add3A_625 = arith.addi %squeeze3A_621, %add3A_624 : i32
        %get3A_626 = arith.index_cast %add3A_623 : i32 to index
        %get3A_627 = arith.index_cast %add3A_625 : i32 to index
        %get3A_628 = tpu.vector_load %arg13[%get3A_626, %get3A_627] {strides = array<i32>} : memref<320x128xf32, #tpu.memory_space<vmem>>, vector<16xf32>,
        %add3A_629 = arith.addf %add3A_619, %get3A_628 : vector<16xf32>
        %slice3A_630 = vector.extract_strided_slice %get3A_161 {offsets = [7], sizes = [1], strides = [1]} : vector<16xi32> to vector<1xi32>
        %squeeze3A_631 = vector.extract %slice3A_630[0] : i32 from vector<1xi32>
        %add3A_632 = arith.constant 7 : i32
        %add3A_633 = arith.addi %mul3A_160, %add3A_632 : i32
        %add3A_634 = arith.constant 32 : i32
        %add3A_635 = arith.addi %squeeze3A_631, %add3A_634 : i32
        %get3A_636 = arith.index_cast %add3A_633 : i32 to index
        %get3A_637 = arith.index_cast %add3A_635 : i32 to index
        %get3A_638 = tpu.vector_load %arg13[%get3A_636, %get3A_637] {strides = array<i32>} : memref<320x128xf32, #tpu.memory_space<vmem>>, vector<16xf32>,
        %add3A_639 = arith.addf %add3A_629, %get3A_638 : vector<16xf32>
        %slice3A_640 = vector.extract_strided_slice %get3A_161 {offsets = [8], sizes = [1], strides = [1]} : vector<16xi32> to vector<1xi32>
        %squeeze3A_641 = vector.extract %slice3A_640[0] : i32 from vector<1xi32>
        %add3A_642 = arith.constant 8 : i32
        %add3A_643 = arith.addi %mul3A_160, %add3A_642 : i32
        %add3A_644 = arith.constant 32 : i32
        %add3A_645 = arith.addi %squeeze3A_641, %add3A_644 : i32
        %get3A_646 = arith.index_cast %add3A_643 : i32 to index
        %get3A_647 = arith.index_cast %add3A_645 : i32 to index
        %get3A_648 = tpu.vector_load %arg13[%get3A_646, %get3A_647] {strides = array<i32>} : memref<320x128xf32, #tpu.memory_space<vmem>>, vector<16xf32>,
        %add3A_649 = arith.addf %add3A_639, %get3A_648 : vector<16xf32>
        %slice3A_650 = vector.extract_strided_slice %get3A_161 {offsets = [9], sizes = [1], strides = [1]} : vector<16xi32> to vector<1xi32>
        %squeeze3A_651 = vector.extract %slice3A_650[0] : i32 from vector<1xi32>
        %add3A_652 = arith.constant 9 : i32
        %add3A_653 = arith.addi %mul3A_160, %add3A_652 : i32
        %add3A_654 = arith.constant 32 : i32
        %add3A_655 = arith.addi %squeeze3A_651, %add3A_654 : i32
        %get3A_656 = arith.index_cast %add3A_653 : i32 to index
        %get3A_657 = arith.index_cast %add3A_655 : i32 to index
        %get3A_658 = tpu.vector_load %arg13[%get3A_656, %get3A_657] {strides = array<i32>} : memref<320x128xf32, #tpu.memory_space<vmem>>, vector<16xf32>,
        %add3A_659 = arith.addf %add3A_649, %get3A_658 : vector<16xf32>
        %slice3A_660 = vector.extract_strided_slice %get3A_161 {offsets = [10], sizes = [1], strides = [1]} : vector<16xi32> to vector<1xi32>
        %squeeze3A_661 = vector.extract %slice3A_660[0] : i32 from vector<1xi32>
        %add3A_662 = arith.constant 10 : i32
        %add3A_663 = arith.addi %mul3A_160, %add3A_662 : i32
        %add3A_664 = arith.constant 32 : i32
        %add3A_665 = arith.addi %squeeze3A_661, %add3A_664 : i32
        %get3A_666 = arith.index_cast %add3A_663 : i32 to index
        %get3A_667 = arith.index_cast %add3A_665 : i32 to index
        %get3A_668 = tpu.vector_load %arg13[%get3A_666, %get3A_667] {strides = array<i32>} : memref<320x128xf32, #tpu.memory_space<vmem>>, vector<16xf32>,
        %add3A_669 = arith.addf %add3A_659, %get3A_668 : vector<16xf32>
        %slice3A_670 = vector.extract_strided_slice %get3A_161 {offsets = [11], sizes = [1], strides = [1]} : vector<16xi32> to vector<1xi32>
        %squeeze3A_671 = vector.extract %slice3A_670[0] : i32 from vector<1xi32>
        %add3A_672 = arith.constant 11 : i32
        %add3A_673 = arith.addi %mul3A_160, %add3A_672 : i32
        %add3A_674 = arith.constant 32 : i32
        %add3A_675 = arith.addi %squeeze3A_671, %add3A_674 : i32
        %get3A_676 = arith.index_cast %add3A_673 : i32 to index
        %get3A_677 = arith.index_cast %add3A_675 : i32 to index
        %get3A_678 = tpu.vector_load %arg13[%get3A_676, %get3A_677] {strides = array<i32>} : memref<320x128xf32, #tpu.memory_space<vmem>>, vector<16xf32>,
        %add3A_679 = arith.addf %add3A_669, %get3A_678 : vector<16xf32>
        %slice3A_680 = vector.extract_strided_slice %get3A_161 {offsets = [12], sizes = [1], strides = [1]} : vector<16xi32> to vector<1xi32>
        %squeeze3A_681 = vector.extract %slice3A_680[0] : i32 from vector<1xi32>
        %add3A_682 = arith.constant 12 : i32
        %add3A_683 = arith.addi %mul3A_160, %add3A_682 : i32
        %add3A_684 = arith.constant 32 : i32
        %add3A_685 = arith.addi %squeeze3A_681, %add3A_684 : i32
        %get3A_686 = arith.index_cast %add3A_683 : i32 to index
        %get3A_687 = arith.index_cast %add3A_685 : i32 to index
        %get3A_688 = tpu.vector_load %arg13[%get3A_686, %get3A_687] {strides = array<i32>} : memref<320x128xf32, #tpu.memory_space<vmem>>, vector<16xf32>,
        %add3A_689 = arith.addf %add3A_679, %get3A_688 : vector<16xf32>
        %slice3A_690 = vector.extract_strided_slice %get3A_161 {offsets = [13], sizes = [1], strides = [1]} : vector<16xi32> to vector<1xi32>
        %squeeze3A_691 = vector.extract %slice3A_690[0] : i32 from vector<1xi32>
        %add3A_692 = arith.constant 13 : i32
        %add3A_693 = arith.addi %mul3A_160, %add3A_692 : i32
        %add3A_694 = arith.constant 32 : i32
        %add3A_695 = arith.addi %squeeze3A_691, %add3A_694 : i32
        %get3A_696 = arith.index_cast %add3A_693 : i32 to index
        %get3A_697 = arith.index_cast %add3A_695 : i32 to index
        %get3A_698 = tpu.vector_load %arg13[%get3A_696, %get3A_697] {strides = array<i32>} : memref<320x128xf32, #tpu.memory_space<vmem>>, vector<16xf32>,
        %add3A_699 = arith.addf %add3A_689, %get3A_698 : vector<16xf32>
        %slice3A_700 = vector.extract_strided_slice %get3A_161 {offsets = [14], sizes = [1], strides = [1]} : vector<16xi32> to vector<1xi32>
        %squeeze3A_701 = vector.extract %slice3A_700[0] : i32 from vector<1xi32>
        %add3A_702 = arith.constant 14 : i32
        %add3A_703 = arith.addi %mul3A_160, %add3A_702 : i32
        %add3A_704 = arith.constant 32 : i32
        %add3A_705 = arith.addi %squeeze3A_701, %add3A_704 : i32
        %get3A_706 = arith.index_cast %add3A_703 : i32 to index
        %get3A_707 = arith.index_cast %add3A_705 : i32 to index
        %get3A_708 = tpu.vector_load %arg13[%get3A_706, %get3A_707] {strides = array<i32>} : memref<320x128xf32, #tpu.memory_space<vmem>>, vector<16xf32>,
        %add3A_709 = arith.addf %add3A_699, %get3A_708 : vector<16xf32>
        %slice3A_710 = vector.extract_strided_slice %get3A_161 {offsets = [15], sizes = [1], strides = [1]} : vector<16xi32> to vector<1xi32>
        %squeeze3A_711 = vector.extract %slice3A_710[0] : i32 from vector<1xi32>
        %add3A_712 = arith.constant 15 : i32
        %add3A_713 = arith.addi %mul3A_160, %add3A_712 : i32
        %add3A_714 = arith.constant 32 : i32
        %add3A_715 = arith.addi %squeeze3A_711, %add3A_714 : i32
        %get3A_716 = arith.index_cast %add3A_713 : i32 to index
        %get3A_717 = arith.index_cast %add3A_715 : i32 to index
        %get3A_718 = tpu.vector_load %arg13[%get3A_716, %get3A_717] {strides = array<i32>} : memref<320x128xf32, #tpu.memory_space<vmem>>, vector<16xf32>,
        %add3A_719 = arith.addf %add3A_709, %get3A_718 : vector<16xf32>
        %slice3A_720 = vector.extract_strided_slice %get3A_165 {offsets = [12], sizes = [1], strides = [1]} : vector<16xi32> to vector<1xi32>
        %squeeze3A_721 = vector.extract %slice3A_720[0] : i32 from vector<1xi32>
        %add3A_722 = arith.constant 16 : i32
        %add3A_723 = arith.addi %mul3A_160, %add3A_722 : i32
        %add3A_724 = arith.constant 32 : i32
        %add3A_725 = arith.addi %squeeze3A_721, %add3A_724 : i32
        %get3A_726 = arith.index_cast %add3A_723 : i32 to index
        %get3A_727 = arith.index_cast %add3A_725 : i32 to index
        %get3A_728 = tpu.vector_load %arg13[%get3A_726, %get3A_727] {strides = array<i32>} : memref<320x128xf32, #tpu.memory_space<vmem>>, vector<16xf32>,
        %add3A_729 = arith.addf %add3A_719, %get3A_728 : vector<16xf32>
        %slice3A_730 = vector.extract_strided_slice %get3A_165 {offsets = [13], sizes = [1], strides = [1]} : vector<16xi32> to vector<1xi32>
        %squeeze3A_731 = vector.extract %slice3A_730[0] : i32 from vector<1xi32>
        %add3A_732 = arith.constant 17 : i32
        %add3A_733 = arith.addi %mul3A_160, %add3A_732 : i32
        %add3A_734 = arith.constant 32 : i32
        %add3A_735 = arith.addi %squeeze3A_731, %add3A_734 : i32
        %get3A_736 = arith.index_cast %add3A_733 : i32 to index
        %get3A_737 = arith.index_cast %add3A_735 : i32 to index
        %get3A_738 = tpu.vector_load %arg13[%get3A_736, %get3A_737] {strides = array<i32>} : memref<320x128xf32, #tpu.memory_space<vmem>>, vector<16xf32>,
        %add3A_739 = arith.addf %add3A_729, %get3A_738 : vector<16xf32>
        %slice3A_740 = vector.extract_strided_slice %get3A_165 {offsets = [14], sizes = [1], strides = [1]} : vector<16xi32> to vector<1xi32>
        %squeeze3A_741 = vector.extract %slice3A_740[0] : i32 from vector<1xi32>
        %add3A_742 = arith.constant 18 : i32
        %add3A_743 = arith.addi %mul3A_160, %add3A_742 : i32
        %add3A_744 = arith.constant 32 : i32
        %add3A_745 = arith.addi %squeeze3A_741, %add3A_744 : i32
        %get3A_746 = arith.index_cast %add3A_743 : i32 to index
        %get3A_747 = arith.index_cast %add3A_745 : i32 to index
        %get3A_748 = tpu.vector_load %arg13[%get3A_746, %get3A_747] {strides = array<i32>} : memref<320x128xf32, #tpu.memory_space<vmem>>, vector<16xf32>,
        %add3A_749 = arith.addf %add3A_739, %get3A_748 : vector<16xf32>
        %slice3A_750 = vector.extract_strided_slice %get3A_165 {offsets = [15], sizes = [1], strides = [1]} : vector<16xi32> to vector<1xi32>
        %squeeze3A_751 = vector.extract %slice3A_750[0] : i32 from vector<1xi32>
        %add3A_752 = arith.constant 19 : i32
        %add3A_753 = arith.addi %mul3A_160, %add3A_752 : i32
        %add3A_754 = arith.constant 32 : i32
        %add3A_755 = arith.addi %squeeze3A_751, %add3A_754 : i32
        %get3A_756 = arith.index_cast %add3A_753 : i32 to index
        %get3A_757 = arith.index_cast %add3A_755 : i32 to index
        %get3A_758 = tpu.vector_load %arg13[%get3A_756, %get3A_757] {strides = array<i32>} : memref<320x128xf32, #tpu.memory_space<vmem>>, vector<16xf32>,
        %add3A_759 = arith.addf %add3A_749, %get3A_758 : vector<16xf32>
        %swap3A_760 = arith.index_cast %scan3A_158 : i32 to index
        %swap3A_761 = arith.constant 32 : index
        %swap3A_762 = tpu.vector_load %arg15[%swap3A_760, %swap3A_761] {strides = array<i32>} : memref<16x64xf32, #tpu.memory_space<vmem>>, vector<16xf32>,
        tpu.vector_store %arg15[%swap3A_760, %swap3A_761], %add3A_759 {strides = array<i32>} : memref<16x64xf32, #tpu.memory_space<vmem>>, vector<16xf32>,
        %slice3A_763 = vector.extract_strided_slice %get3A_161 {offsets = [0], sizes = [1], strides = [1]} : vector<16xi32> to vector<1xi32>
        %squeeze3A_764 = vector.extract %slice3A_763[0] : i32 from vector<1xi32>
        %add3A_765 = arith.constant 48 : i32
        %add3A_766 = arith.addi %squeeze3A_764, %add3A_765 : i32
        %get3A_767 = arith.index_cast %mul3A_160 : i32 to index
        %get3A_768 = arith.index_cast %add3A_766 : i32 to index
        %get3A_769 = tpu.vector_load %arg13[%get3A_767, %get3A_768] {strides = array<i32>} : memref<320x128xf32, #tpu.memory_space<vmem>>, vector<16xf32>,
        %slice3A_770 = vector.extract_strided_slice %get3A_161 {offsets = [1], sizes = [1], strides = [1]} : vector<16xi32> to vector<1xi32>
        %squeeze3A_771 = vector.extract %slice3A_770[0] : i32 from vector<1xi32>
        %add3A_772 = arith.constant 1 : i32
        %add3A_773 = arith.addi %mul3A_160, %add3A_772 : i32
        %add3A_774 = arith.constant 48 : i32
        %add3A_775 = arith.addi %squeeze3A_771, %add3A_774 : i32
        %get3A_776 = arith.index_cast %add3A_773 : i32 to index
        %get3A_777 = arith.index_cast %add3A_775 : i32 to index
        %get3A_778 = tpu.vector_load %arg13[%get3A_776, %get3A_777] {strides = array<i32>} : memref<320x128xf32, #tpu.memory_space<vmem>>, vector<16xf32>,
        %add3A_779 = arith.addf %get3A_769, %get3A_778 : vector<16xf32>
        %slice3A_780 = vector.extract_strided_slice %get3A_161 {offsets = [2], sizes = [1], strides = [1]} : vector<16xi32> to vector<1xi32>
        %squeeze3A_781 = vector.extract %slice3A_780[0] : i32 from vector<1xi32>
        %add3A_782 = arith.constant 2 : i32
        %add3A_783 = arith.addi %mul3A_160, %add3A_782 : i32
        %add3A_784 = arith.constant 48 : i32
        %add3A_785 = arith.addi %squeeze3A_781, %add3A_784 : i32
        %get3A_786 = arith.index_cast %add3A_783 : i32 to index
        %get3A_787 = arith.index_cast %add3A_785 : i32 to index
        %get3A_788 = tpu.vector_load %arg13[%get3A_786, %get3A_787] {strides = array<i32>} : memref<320x128xf32, #tpu.memory_space<vmem>>, vector<16xf32>,
        %add3A_789 = arith.addf %add3A_779, %get3A_788 : vector<16xf32>
        %slice3A_790 = vector.extract_strided_slice %get3A_161 {offsets = [3], sizes = [1], strides = [1]} : vector<16xi32> to vector<1xi32>
        %squeeze3A_791 = vector.extract %slice3A_790[0] : i32 from vector<1xi32>
        %add3A_792 = arith.constant 3 : i32
        %add3A_793 = arith.addi %mul3A_160, %add3A_792 : i32
        %add3A_794 = arith.constant 48 : i32
        %add3A_795 = arith.addi %squeeze3A_791, %add3A_794 : i32
        %get3A_796 = arith.index_cast %add3A_793 : i32 to index
        %get3A_797 = arith.index_cast %add3A_795 : i32 to index
        %get3A_798 = tpu.vector_load %arg13[%get3A_796, %get3A_797] {strides = array<i32>} : memref<320x128xf32, #tpu.memory_space<vmem>>, vector<16xf32>,
        %add3A_799 = arith.addf %add3A_789, %get3A_798 : vector<16xf32>
        %slice3A_800 = vector.extract_strided_slice %get3A_161 {offsets = [4], sizes = [1], strides = [1]} : vector<16xi32> to vector<1xi32>
        %squeeze3A_801 = vector.extract %slice3A_800[0] : i32 from vector<1xi32>
        %add3A_802 = arith.constant 4 : i32
        %add3A_803 = arith.addi %mul3A_160, %add3A_802 : i32
        %add3A_804 = arith.constant 48 : i32
        %add3A_805 = arith.addi %squeeze3A_801, %add3A_804 : i32
        %get3A_806 = arith.index_cast %add3A_803 : i32 to index
        %get3A_807 = arith.index_cast %add3A_805 : i32 to index
        %get3A_808 = tpu.vector_load %arg13[%get3A_806, %get3A_807] {strides = array<i32>} : memref<320x128xf32, #tpu.memory_space<vmem>>, vector<16xf32>,
        %add3A_809 = arith.addf %add3A_799, %get3A_808 : vector<16xf32>
        %slice3A_810 = vector.extract_strided_slice %get3A_161 {offsets = [5], sizes = [1], strides = [1]} : vector<16xi32> to vector<1xi32>
        %squeeze3A_811 = vector.extract %slice3A_810[0] : i32 from vector<1xi32>
        %add3A_812 = arith.constant 5 : i32
        %add3A_813 = arith.addi %mul3A_160, %add3A_812 : i32
        %add3A_814 = arith.constant 48 : i32
        %add3A_815 = arith.addi %squeeze3A_811, %add3A_814 : i32
        %get3A_816 = arith.index_cast %add3A_813 : i32 to index
        %get3A_817 = arith.index_cast %add3A_815 : i32 to index
        %get3A_818 = tpu.vector_load %arg13[%get3A_816, %get3A_817] {strides = array<i32>} : memref<320x128xf32, #tpu.memory_space<vmem>>, vector<16xf32>,
        %add3A_819 = arith.addf %add3A_809, %get3A_818 : vector<16xf32>
        %slice3A_820 = vector.extract_strided_slice %get3A_161 {offsets = [6], sizes = [1], strides = [1]} : vector<16xi32> to vector<1xi32>
        %squeeze3A_821 = vector.extract %slice3A_820[0] : i32 from vector<1xi32>
        %add3A_822 = arith.constant 6 : i32
        %add3A_823 = arith.addi %mul3A_160, %add3A_822 : i32
        %add3A_824 = arith.constant 48 : i32
        %add3A_825 = arith.addi %squeeze3A_821, %add3A_824 : i32
        %get3A_826 = arith.index_cast %add3A_823 : i32 to index
        %get3A_827 = arith.index_cast %add3A_825 : i32 to index
        %get3A_828 = tpu.vector_load %arg13[%get3A_826, %get3A_827] {strides = array<i32>} : memref<320x128xf32, #tpu.memory_space<vmem>>, vector<16xf32>,
        %add3A_829 = arith.addf %add3A_819, %get3A_828 : vector<16xf32>
        %slice3A_830 = vector.extract_strided_slice %get3A_161 {offsets = [7], sizes = [1], strides = [1]} : vector<16xi32> to vector<1xi32>
        %squeeze3A_831 = vector.extract %slice3A_830[0] : i32 from vector<1xi32>
        %add3A_832 = arith.constant 7 : i32
        %add3A_833 = arith.addi %mul3A_160, %add3A_832 : i32
        %add3A_834 = arith.constant 48 : i32
        %add3A_835 = arith.addi %squeeze3A_831, %add3A_834 : i32
        %get3A_836 = arith.index_cast %add3A_833 : i32 to index
        %get3A_837 = arith.index_cast %add3A_835 : i32 to index
        %get3A_838 = tpu.vector_load %arg13[%get3A_836, %get3A_837] {strides = array<i32>} : memref<320x128xf32, #tpu.memory_space<vmem>>, vector<16xf32>,
        %add3A_839 = arith.addf %add3A_829, %get3A_838 : vector<16xf32>
        %slice3A_840 = vector.extract_strided_slice %get3A_161 {offsets = [8], sizes = [1], strides = [1]} : vector<16xi32> to vector<1xi32>
        %squeeze3A_841 = vector.extract %slice3A_840[0] : i32 from vector<1xi32>
        %add3A_842 = arith.constant 8 : i32
        %add3A_843 = arith.addi %mul3A_160, %add3A_842 : i32
        %add3A_844 = arith.constant 48 : i32
        %add3A_845 = arith.addi %squeeze3A_841, %add3A_844 : i32
        %get3A_846 = arith.index_cast %add3A_843 : i32 to index
        %get3A_847 = arith.index_cast %add3A_845 : i32 to index
        %get3A_848 = tpu.vector_load %arg13[%get3A_846, %get3A_847] {strides = array<i32>} : memref<320x128xf32, #tpu.memory_space<vmem>>, vector<16xf32>,
        %add3A_849 = arith.addf %add3A_839, %get3A_848 : vector<16xf32>
        %slice3A_850 = vector.extract_strided_slice %get3A_161 {offsets = [9], sizes = [1], strides = [1]} : vector<16xi32> to vector<1xi32>
        %squeeze3A_851 = vector.extract %slice3A_850[0] : i32 from vector<1xi32>
        %add3A_852 = arith.constant 9 : i32
        %add3A_853 = arith.addi %mul3A_160, %add3A_852 : i32
        %add3A_854 = arith.constant 48 : i32
        %add3A_855 = arith.addi %squeeze3A_851, %add3A_854 : i32
        %get3A_856 = arith.index_cast %add3A_853 : i32 to index
        %get3A_857 = arith.index_cast %add3A_855 : i32 to index
        %get3A_858 = tpu.vector_load %arg13[%get3A_856, %get3A_857] {strides = array<i32>} : memref<320x128xf32, #tpu.memory_space<vmem>>, vector<16xf32>,
        %add3A_859 = arith.addf %add3A_849, %get3A_858 : vector<16xf32>
        %slice3A_860 = vector.extract_strided_slice %get3A_161 {offsets = [10], sizes = [1], strides = [1]} : vector<16xi32> to vector<1xi32>
        %squeeze3A_861 = vector.extract %slice3A_860[0] : i32 from vector<1xi32>
        %add3A_862 = arith.constant 10 : i32
        %add3A_863 = arith.addi %mul3A_160, %add3A_862 : i32
        %add3A_864 = arith.constant 48 : i32
        %add3A_865 = arith.addi %squeeze3A_861, %add3A_864 : i32
        %get3A_866 = arith.index_cast %add3A_863 : i32 to index
        %get3A_867 = arith.index_cast %add3A_865 : i32 to index
        %get3A_868 = tpu.vector_load %arg13[%get3A_866, %get3A_867] {strides = array<i32>} : memref<320x128xf32, #tpu.memory_space<vmem>>, vector<16xf32>,
        %add3A_869 = arith.addf %add3A_859, %get3A_868 : vector<16xf32>
        %slice3A_870 = vector.extract_strided_slice %get3A_161 {offsets = [11], sizes = [1], strides = [1]} : vector<16xi32> to vector<1xi32>
        %squeeze3A_871 = vector.extract %slice3A_870[0] : i32 from vector<1xi32>
        %add3A_872 = arith.constant 11 : i32
        %add3A_873 = arith.addi %mul3A_160, %add3A_872 : i32
        %add3A_874 = arith.constant 48 : i32
        %add3A_875 = arith.addi %squeeze3A_871, %add3A_874 : i32
        %get3A_876 = arith.index_cast %add3A_873 : i32 to index
        %get3A_877 = arith.index_cast %add3A_875 : i32 to index
        %get3A_878 = tpu.vector_load %arg13[%get3A_876, %get3A_877] {strides = array<i32>} : memref<320x128xf32, #tpu.memory_space<vmem>>, vector<16xf32>,
        %add3A_879 = arith.addf %add3A_869, %get3A_878 : vector<16xf32>
        %slice3A_880 = vector.extract_strided_slice %get3A_161 {offsets = [12], sizes = [1], strides = [1]} : vector<16xi32> to vector<1xi32>
        %squeeze3A_881 = vector.extract %slice3A_880[0] : i32 from vector<1xi32>
        %add3A_882 = arith.constant 12 : i32
        %add3A_883 = arith.addi %mul3A_160, %add3A_882 : i32
        %add3A_884 = arith.constant 48 : i32
        %add3A_885 = arith.addi %squeeze3A_881, %add3A_884 : i32
        %get3A_886 = arith.index_cast %add3A_883 : i32 to index
        %get3A_887 = arith.index_cast %add3A_885 : i32 to index
        %get3A_888 = tpu.vector_load %arg13[%get3A_886, %get3A_887] {strides = array<i32>} : memref<320x128xf32, #tpu.memory_space<vmem>>, vector<16xf32>,
        %add3A_889 = arith.addf %add3A_879, %get3A_888 : vector<16xf32>
        %slice3A_890 = vector.extract_strided_slice %get3A_161 {offsets = [13], sizes = [1], strides = [1]} : vector<16xi32> to vector<1xi32>
        %squeeze3A_891 = vector.extract %slice3A_890[0] : i32 from vector<1xi32>
        %add3A_892 = arith.constant 13 : i32
        %add3A_893 = arith.addi %mul3A_160, %add3A_892 : i32
        %add3A_894 = arith.constant 48 : i32
        %add3A_895 = arith.addi %squeeze3A_891, %add3A_894 : i32
        %get3A_896 = arith.index_cast %add3A_893 : i32 to index
        %get3A_897 = arith.index_cast %add3A_895 : i32 to index
        %get3A_898 = tpu.vector_load %arg13[%get3A_896, %get3A_897] {strides = array<i32>} : memref<320x128xf32, #tpu.memory_space<vmem>>, vector<16xf32>,
        %add3A_899 = arith.addf %add3A_889, %get3A_898 : vector<16xf32>
        %slice3A_900 = vector.extract_strided_slice %get3A_161 {offsets = [14], sizes = [1], strides = [1]} : vector<16xi32> to vector<1xi32>
        %squeeze3A_901 = vector.extract %slice3A_900[0] : i32 from vector<1xi32>
        %add3A_902 = arith.constant 14 : i32
        %add3A_903 = arith.addi %mul3A_160, %add3A_902 : i32
        %add3A_904 = arith.constant 48 : i32
        %add3A_905 = arith.addi %squeeze3A_901, %add3A_904 : i32
        %get3A_906 = arith.index_cast %add3A_903 : i32 to index
        %get3A_907 = arith.index_cast %add3A_905 : i32 to index
        %get3A_908 = tpu.vector_load %arg13[%get3A_906, %get3A_907] {strides = array<i32>} : memref<320x128xf32, #tpu.memory_space<vmem>>, vector<16xf32>,
        %add3A_909 = arith.addf %add3A_899, %get3A_908 : vector<16xf32>
        %slice3A_910 = vector.extract_strided_slice %get3A_161 {offsets = [15], sizes = [1], strides = [1]} : vector<16xi32> to vector<1xi32>
        %squeeze3A_911 = vector.extract %slice3A_910[0] : i32 from vector<1xi32>
        %add3A_912 = arith.constant 15 : i32
        %add3A_913 = arith.addi %mul3A_160, %add3A_912 : i32
        %add3A_914 = arith.constant 48 : i32
        %add3A_915 = arith.addi %squeeze3A_911, %add3A_914 : i32
        %get3A_916 = arith.index_cast %add3A_913 : i32 to index
        %get3A_917 = arith.index_cast %add3A_915 : i32 to index
        %get3A_918 = tpu.vector_load %arg13[%get3A_916, %get3A_917] {strides = array<i32>} : memref<320x128xf32, #tpu.memory_space<vmem>>, vector<16xf32>,
        %add3A_919 = arith.addf %add3A_909, %get3A_918 : vector<16xf32>
        %slice3A_920 = vector.extract_strided_slice %get3A_165 {offsets = [12], sizes = [1], strides = [1]} : vector<16xi32> to vector<1xi32>
        %squeeze3A_921 = vector.extract %slice3A_920[0] : i32 from vector<1xi32>
        %add3A_922 = arith.constant 16 : i32
        %add3A_923 = arith.addi %mul3A_160, %add3A_922 : i32
        %add3A_924 = arith.constant 48 : i32
        %add3A_925 = arith.addi %squeeze3A_921, %add3A_924 : i32
        %get3A_926 = arith.index_cast %add3A_923 : i32 to index
        %get3A_927 = arith.index_cast %add3A_925 : i32 to index
        %get3A_928 = tpu.vector_load %arg13[%get3A_926, %get3A_927] {strides = array<i32>} : memref<320x128xf32, #tpu.memory_space<vmem>>, vector<16xf32>,
        %add3A_929 = arith.addf %add3A_919, %get3A_928 : vector<16xf32>
        %slice3A_930 = vector.extract_strided_slice %get3A_165 {offsets = [13], sizes = [1], strides = [1]} : vector<16xi32> to vector<1xi32>
        %squeeze3A_931 = vector.extract %slice3A_930[0] : i32 from vector<1xi32>
        %add3A_932 = arith.constant 17 : i32
        %add3A_933 = arith.addi %mul3A_160, %add3A_932 : i32
        %add3A_934 = arith.constant 48 : i32
        %add3A_935 = arith.addi %squeeze3A_931, %add3A_934 : i32
        %get3A_936 = arith.index_cast %add3A_933 : i32 to index
        %get3A_937 = arith.index_cast %add3A_935 : i32 to index
        %get3A_938 = tpu.vector_load %arg13[%get3A_936, %get3A_937] {strides = array<i32>} : memref<320x128xf32, #tpu.memory_space<vmem>>, vector<16xf32>,
        %add3A_939 = arith.addf %add3A_929, %get3A_938 : vector<16xf32>
        %slice3A_940 = vector.extract_strided_slice %get3A_165 {offsets = [14], sizes = [1], strides = [1]} : vector<16xi32> to vector<1xi32>
        %squeeze3A_941 = vector.extract %slice3A_940[0] : i32 from vector<1xi32>
        %add3A_942 = arith.constant 18 : i32
        %add3A_943 = arith.addi %mul3A_160, %add3A_942 : i32
        %add3A_944 = arith.constant 48 : i32
        %add3A_945 = arith.addi %squeeze3A_941, %add3A_944 : i32
        %get3A_946 = arith.index_cast %add3A_943 : i32 to index
        %get3A_947 = arith.index_cast %add3A_945 : i32 to index
        %get3A_948 = tpu.vector_load %arg13[%get3A_946, %get3A_947] {strides = array<i32>} : memref<320x128xf32, #tpu.memory_space<vmem>>, vector<16xf32>,
        %add3A_949 = arith.addf %add3A_939, %get3A_948 : vector<16xf32>
        %slice3A_950 = vector.extract_strided_slice %get3A_165 {offsets = [15], sizes = [1], strides = [1]} : vector<16xi32> to vector<1xi32>
        %squeeze3A_951 = vector.extract %slice3A_950[0] : i32 from vector<1xi32>
        %add3A_952 = arith.constant 19 : i32
        %add3A_953 = arith.addi %mul3A_160, %add3A_952 : i32
        %add3A_954 = arith.constant 48 : i32
        %add3A_955 = arith.addi %squeeze3A_951, %add3A_954 : i32
        %get3A_956 = arith.index_cast %add3A_953 : i32 to index
        %get3A_957 = arith.index_cast %add3A_955 : i32 to index
        %get3A_958 = tpu.vector_load %arg13[%get3A_956, %get3A_957] {strides = array<i32>} : memref<320x128xf32, #tpu.memory_space<vmem>>, vector<16xf32>,
        %add3A_959 = arith.addf %add3A_949, %get3A_958 : vector<16xf32>
        %swap3A_960 = arith.index_cast %scan3A_158 : i32 to index
        %swap3A_961 = arith.constant 48 : index
        %swap3A_962 = tpu.vector_load %arg15[%swap3A_960, %swap3A_961] {strides = array<i32>} : memref<16x64xf32, #tpu.memory_space<vmem>>, vector<16xf32>,
        tpu.vector_store %arg15[%swap3A_960, %swap3A_961], %add3A_959 {strides = array<i32>} : memref<16x64xf32, #tpu.memory_space<vmem>>, vector<16xf32>,
      }
      %scan3A_151 = arith.constant 16 : i32
      %scan3A_152 = arith.constant 0 : i32
      %scan3A_153 = arith.constant 0 : i32
      %scan3A_154 = arith.constant 20 : i32
      %scan3A_155 = arith.addi %scan3A_153, %scan3A_154 : i32
      %scan3A_156 = arith.constant 1 : i32
      scf.for %scan3A_158 = %scan3A_153 to %scan3A_155 step %scan3A_156  : i32 {
        %mul3A_159 = arith.constant 16 : i32
        %mul3A_160 = arith.muli %scan3A_158, %mul3A_159 : i32
        %add3A_161 = vector.broadcast %mul3A_160 : i32 to vector<16xi32>
        %add3A_162 = arith.addi %add3A_161, %iota3A : vector<16xi32>
        %jit3A = arith.constant 20 : i32
        %div3A = vector.broadcast %jit3A : i32 to vector<16xi32>
        %div3A_163 = arith.divsi %add3A_162, %div3A : vector<16xi32>
        %sign3A = arith.constant 0 : i32
        %sign3A_164 = vector.broadcast %sign3A : i32 to vector<16xi32>
        %sign3A_165 = arith.cmpi sgt, %add3A_162, %sign3A_164 : vector<16xi32>
        %sign3A_166 = arith.extui %sign3A_165 : vector<16xi1> to vector<16xi32>
        %sign3A_167 = arith.constant 0 : i32
        %sign3A_168 = vector.broadcast %sign3A_167 : i32 to vector<16xi32>
        %sign3A_169 = arith.cmpi slt, %add3A_162, %sign3A_168 : vector<16xi32>
        %sign3A_170 = arith.extui %sign3A_169 : vector<16xi1> to vector<16xi32>
        %sign3A_171 = arith.subi %sign3A_166, %sign3A_170 : vector<16xi32>
        %sign3A_172 = arith.constant 0 : i32
        %sign3A_173 = arith.cmpi sgt, %jit3A, %sign3A_172 : i32
        %sign3A_174 = arith.extui %sign3A_173 : i1 to i32
        %sign3A_175 = arith.constant 0 : i32
        %sign3A_176 = arith.cmpi slt, %jit3A, %sign3A_175 : i32
        %sign3A_177 = arith.extui %sign3A_176 : i1 to i32
        %sign3A_178 = arith.subi %sign3A_174, %sign3A_177 : i32
        %ne3A = vector.broadcast %sign3A_178 : i32 to vector<16xi32>
        %ne3A_179 = arith.cmpi ne, %sign3A_171, %ne3A : vector<16xi32>
        %rem3A = vector.broadcast %jit3A : i32 to vector<16xi32>
        %rem3A_180 = arith.remsi %add3A_162, %rem3A : vector<16xi32>
        %ne3A_181 = arith.constant 0 : i32
        %ne3A_182 = vector.broadcast %ne3A_181 : i32 to vector<16xi32>
        %ne3A_183 = arith.cmpi ne, %rem3A_180, %ne3A_182 : vector<16xi32>
        %and3A = arith.andi %ne3A_179, %ne3A_183 : vector<16xi1>
        %sub3A = arith.constant 1 : i32
        %sub3A_184 = vector.broadcast %sub3A : i32 to vector<16xi32>
        %sub3A_185 = arith.subi %div3A_163, %sub3A_184 : vector<16xi32>
        %select_n3A = arith.select %and3A, %sub3A_185, %div3A_163 : vector<16xi1>, vector<16xi32>
        %gather3A = tpu.vector_load_idx %arg12[%add3A_162] : memref<320xi32, #tpu.memory_space<vmem>>[vector<16xi32>], vector<16xi32>,
        %broadcast_in_dim3A = arith.constant 0.000000e+00 : f32
        %broadcast_in_dim3A_186 = vector.broadcast %broadcast_in_dim3A : f32 to vector<16xf32>
        %broadcast_in_dim3A_187 = arith.constant 0 : i32
        %broadcast_in_dim3A_188 = vector.broadcast %broadcast_in_dim3A_187 : i32 to vector<16xi32>
        %gather3A_189 = tpu.vector_load_idx %arg15[%select_n3A, %broadcast_in_dim3A_188] : memref<16x64xf32, #tpu.memory_space<vmem>>[vector<16xi32>, vector<16xi32>], vector<16xf32>,
        %add3A_190 = arith.addi %gather3A, %broadcast_in_dim3A_188 : vector<16xi32>
        %gather3A_191 = tpu.vector_load_idx %arg14[%add3A_162, %add3A_190] : memref<320x128xf32, #tpu.memory_space<vmem>>[vector<16xi32>, vector<16xi32>], vector<16xf32>,
        %mul3A_192 = arith.mulf %gather3A_189, %gather3A_191 : vector<16xf32>
        %add3A_193 = arith.addf %broadcast_in_dim3A_186, %mul3A_192 : vector<16xf32>
        %broadcast_in_dim3A_194 = arith.constant 1 : i32
        %broadcast_in_dim3A_195 = vector.broadcast %broadcast_in_dim3A_194 : i32 to vector<16xi32>
        %gather3A_196 = tpu.vector_load_idx %arg15[%select_n3A, %broadcast_in_dim3A_195] : memref<16x64xf32, #tpu.memory_space<vmem>>[vector<16xi32>, vector<16xi32>], vector<16xf32>,
        %add3A_197 = arith.addi %gather3A, %broadcast_in_dim3A_195 : vector<16xi32>
        %gather3A_198 = tpu.vector_load_idx %arg14[%add3A_162, %add3A_197] : memref<320x128xf32, #tpu.memory_space<vmem>>[vector<16xi32>, vector<16xi32>], vector<16xf32>,
        %mul3A_199 = arith.mulf %gather3A_196, %gather3A_198 : vector<16xf32>
        %add3A_200 = arith.addf %add3A_193, %mul3A_199 : vector<16xf32>
        %broadcast_in_dim3A_201 = arith.constant 2 : i32
        %broadcast_in_dim3A_202 = vector.broadcast %broadcast_in_dim3A_201 : i32 to vector<16xi32>
        %gather3A_203 = tpu.vector_load_idx %arg15[%select_n3A, %broadcast_in_dim3A_202] : memref<16x64xf32, #tpu.memory_space<vmem>>[vector<16xi32>, vector<16xi32>], vector<16xf32>,
        %add3A_204 = arith.addi %gather3A, %broadcast_in_dim3A_202 : vector<16xi32>
        %gather3A_205 = tpu.vector_load_idx %arg14[%add3A_162, %add3A_204] : memref<320x128xf32, #tpu.memory_space<vmem>>[vector<16xi32>, vector<16xi32>], vector<16xf32>,
        %mul3A_206 = arith.mulf %gather3A_203, %gather3A_205 : vector<16xf32>
        %add3A_207 = arith.addf %add3A_200, %mul3A_206 : vector<16xf32>
        %broadcast_in_dim3A_208 = arith.constant 3 : i32
        %broadcast_in_dim3A_209 = vector.broadcast %broadcast_in_dim3A_208 : i32 to vector<16xi32>
        %gather3A_210 = tpu.vector_load_idx %arg15[%select_n3A, %broadcast_in_dim3A_209] : memref<16x64xf32, #tpu.memory_space<vmem>>[vector<16xi32>, vector<16xi32>], vector<16xf32>,
        %add3A_211 = arith.addi %gather3A, %broadcast_in_dim3A_209 : vector<16xi32>
        %gather3A_212 = tpu.vector_load_idx %arg14[%add3A_162, %add3A_211] : memref<320x128xf32, #tpu.memory_space<vmem>>[vector<16xi32>, vector<16xi32>], vector<16xf32>,
        %mul3A_213 = arith.mulf %gather3A_210, %gather3A_212 : vector<16xf32>
        %add3A_214 = arith.addf %add3A_207, %mul3A_213 : vector<16xf32>
        %broadcast_in_dim3A_215 = arith.constant 4 : i32
        %broadcast_in_dim3A_216 = vector.broadcast %broadcast_in_dim3A_215 : i32 to vector<16xi32>
        %gather3A_217 = tpu.vector_load_idx %arg15[%select_n3A, %broadcast_in_dim3A_216] : memref<16x64xf32, #tpu.memory_space<vmem>>[vector<16xi32>, vector<16xi32>], vector<16xf32>,
        %add3A_218 = arith.addi %gather3A, %broadcast_in_dim3A_216 : vector<16xi32>
        %gather3A_219 = tpu.vector_load_idx %arg14[%add3A_162, %add3A_218] : memref<320x128xf32, #tpu.memory_space<vmem>>[vector<16xi32>, vector<16xi32>], vector<16xf32>,
        %mul3A_220 = arith.mulf %gather3A_217, %gather3A_219 : vector<16xf32>
        %add3A_221 = arith.addf %add3A_214, %mul3A_220 : vector<16xf32>
        %broadcast_in_dim3A_222 = arith.constant 5 : i32
        %broadcast_in_dim3A_223 = vector.broadcast %broadcast_in_dim3A_222 : i32 to vector<16xi32>
        %gather3A_224 = tpu.vector_load_idx %arg15[%select_n3A, %broadcast_in_dim3A_223] : memref<16x64xf32, #tpu.memory_space<vmem>>[vector<16xi32>, vector<16xi32>], vector<16xf32>,
        %add3A_225 = arith.addi %gather3A, %broadcast_in_dim3A_223 : vector<16xi32>
        %gather3A_226 = tpu.vector_load_idx %arg14[%add3A_162, %add3A_225] : memref<320x128xf32, #tpu.memory_space<vmem>>[vector<16xi32>, vector<16xi32>], vector<16xf32>,
        %mul3A_227 = arith.mulf %gather3A_224, %gather3A_226 : vector<16xf32>
        %add3A_228 = arith.addf %add3A_221, %mul3A_227 : vector<16xf32>
        %broadcast_in_dim3A_229 = arith.constant 6 : i32
        %broadcast_in_dim3A_230 = vector.broadcast %broadcast_in_dim3A_229 : i32 to vector<16xi32>
        %gather3A_231 = tpu.vector_load_idx %arg15[%select_n3A, %broadcast_in_dim3A_230] : memref<16x64xf32, #tpu.memory_space<vmem>>[vector<16xi32>, vector<16xi32>], vector<16xf32>,
        %add3A_232 = arith.addi %gather3A, %broadcast_in_dim3A_230 : vector<16xi32>
        %gather3A_233 = tpu.vector_load_idx %arg14[%add3A_162, %add3A_232] : memref<320x128xf32, #tpu.memory_space<vmem>>[vector<16xi32>, vector<16xi32>], vector<16xf32>,
        %mul3A_234 = arith.mulf %gather3A_231, %gather3A_233 : vector<16xf32>
        %add3A_235 = arith.addf %add3A_228, %mul3A_234 : vector<16xf32>
        %broadcast_in_dim3A_236 = arith.constant 7 : i32
        %broadcast_in_dim3A_237 = vector.broadcast %broadcast_in_dim3A_236 : i32 to vector<16xi32>
        %gather3A_238 = tpu.vector_load_idx %arg15[%select_n3A, %broadcast_in_dim3A_237] : memref<16x64xf32, #tpu.memory_space<vmem>>[vector<16xi32>, vector<16xi32>], vector<16xf32>,
        %add3A_239 = arith.addi %gather3A, %broadcast_in_dim3A_237 : vector<16xi32>
        %gather3A_240 = tpu.vector_load_idx %arg14[%add3A_162, %add3A_239] : memref<320x128xf32, #tpu.memory_space<vmem>>[vector<16xi32>, vector<16xi32>], vector<16xf32>,
        %mul3A_241 = arith.mulf %gather3A_238, %gather3A_240 : vector<16xf32>
        %add3A_242 = arith.addf %add3A_235, %mul3A_241 : vector<16xf32>
        %broadcast_in_dim3A_243 = arith.constant 8 : i32
        %broadcast_in_dim3A_244 = vector.broadcast %broadcast_in_dim3A_243 : i32 to vector<16xi32>
        %gather3A_245 = tpu.vector_load_idx %arg15[%select_n3A, %broadcast_in_dim3A_244] : memref<16x64xf32, #tpu.memory_space<vmem>>[vector<16xi32>, vector<16xi32>], vector<16xf32>,
        %add3A_246 = arith.addi %gather3A, %broadcast_in_dim3A_244 : vector<16xi32>
        %gather3A_247 = tpu.vector_load_idx %arg14[%add3A_162, %add3A_246] : memref<320x128xf32, #tpu.memory_space<vmem>>[vector<16xi32>, vector<16xi32>], vector<16xf32>,
        %mul3A_248 = arith.mulf %gather3A_245, %gather3A_247 : vector<16xf32>
        %add3A_249 = arith.addf %add3A_242, %mul3A_248 : vector<16xf32>
        %broadcast_in_dim3A_250 = arith.constant 9 : i32
        %broadcast_in_dim3A_251 = vector.broadcast %broadcast_in_dim3A_250 : i32 to vector<16xi32>
        %gather3A_252 = tpu.vector_load_idx %arg15[%select_n3A, %broadcast_in_dim3A_251] : memref<16x64xf32, #tpu.memory_space<vmem>>[vector<16xi32>, vector<16xi32>], vector<16xf32>,
        %add3A_253 = arith.addi %gather3A, %broadcast_in_dim3A_251 : vector<16xi32>
        %gather3A_254 = tpu.vector_load_idx %arg14[%add3A_162, %add3A_253] : memref<320x128xf32, #tpu.memory_space<vmem>>[vector<16xi32>, vector<16xi32>], vector<16xf32>,
        %mul3A_255 = arith.mulf %gather3A_252, %gather3A_254 : vector<16xf32>
        %add3A_256 = arith.addf %add3A_249, %mul3A_255 : vector<16xf32>
        %broadcast_in_dim3A_257 = arith.constant 10 : i32
        %broadcast_in_dim3A_258 = vector.broadcast %broadcast_in_dim3A_257 : i32 to vector<16xi32>
        %gather3A_259 = tpu.vector_load_idx %arg15[%select_n3A, %broadcast_in_dim3A_258] : memref<16x64xf32, #tpu.memory_space<vmem>>[vector<16xi32>, vector<16xi32>], vector<16xf32>,
        %add3A_260 = arith.addi %gather3A, %broadcast_in_dim3A_258 : vector<16xi32>
        %gather3A_261 = tpu.vector_load_idx %arg14[%add3A_162, %add3A_260] : memref<320x128xf32, #tpu.memory_space<vmem>>[vector<16xi32>, vector<16xi32>], vector<16xf32>,
        %mul3A_262 = arith.mulf %gather3A_259, %gather3A_261 : vector<16xf32>
        %add3A_263 = arith.addf %add3A_256, %mul3A_262 : vector<16xf32>
        %broadcast_in_dim3A_264 = arith.constant 11 : i32
        %broadcast_in_dim3A_265 = vector.broadcast %broadcast_in_dim3A_264 : i32 to vector<16xi32>
        %gather3A_266 = tpu.vector_load_idx %arg15[%select_n3A, %broadcast_in_dim3A_265] : memref<16x64xf32, #tpu.memory_space<vmem>>[vector<16xi32>, vector<16xi32>], vector<16xf32>,
        %add3A_267 = arith.addi %gather3A, %broadcast_in_dim3A_265 : vector<16xi32>
        %gather3A_268 = tpu.vector_load_idx %arg14[%add3A_162, %add3A_267] : memref<320x128xf32, #tpu.memory_space<vmem>>[vector<16xi32>, vector<16xi32>], vector<16xf32>,
        %mul3A_269 = arith.mulf %gather3A_266, %gather3A_268 : vector<16xf32>
        %add3A_270 = arith.addf %add3A_263, %mul3A_269 : vector<16xf32>
        %broadcast_in_dim3A_271 = arith.constant 12 : i32
        %broadcast_in_dim3A_272 = vector.broadcast %broadcast_in_dim3A_271 : i32 to vector<16xi32>
        %gather3A_273 = tpu.vector_load_idx %arg15[%select_n3A, %broadcast_in_dim3A_272] : memref<16x64xf32, #tpu.memory_space<vmem>>[vector<16xi32>, vector<16xi32>], vector<16xf32>,
        %add3A_274 = arith.addi %gather3A, %broadcast_in_dim3A_272 : vector<16xi32>
        %gather3A_275 = tpu.vector_load_idx %arg14[%add3A_162, %add3A_274] : memref<320x128xf32, #tpu.memory_space<vmem>>[vector<16xi32>, vector<16xi32>], vector<16xf32>,
        %mul3A_276 = arith.mulf %gather3A_273, %gather3A_275 : vector<16xf32>
        %add3A_277 = arith.addf %add3A_270, %mul3A_276 : vector<16xf32>
        %broadcast_in_dim3A_278 = arith.constant 13 : i32
        %broadcast_in_dim3A_279 = vector.broadcast %broadcast_in_dim3A_278 : i32 to vector<16xi32>
        %gather3A_280 = tpu.vector_load_idx %arg15[%select_n3A, %broadcast_in_dim3A_279] : memref<16x64xf32, #tpu.memory_space<vmem>>[vector<16xi32>, vector<16xi32>], vector<16xf32>,
        %add3A_281 = arith.addi %gather3A, %broadcast_in_dim3A_279 : vector<16xi32>
        %gather3A_282 = tpu.vector_load_idx %arg14[%add3A_162, %add3A_281] : memref<320x128xf32, #tpu.memory_space<vmem>>[vector<16xi32>, vector<16xi32>], vector<16xf32>,
        %mul3A_283 = arith.mulf %gather3A_280, %gather3A_282 : vector<16xf32>
        %add3A_284 = arith.addf %add3A_277, %mul3A_283 : vector<16xf32>
        %broadcast_in_dim3A_285 = arith.constant 14 : i32
        %broadcast_in_dim3A_286 = vector.broadcast %broadcast_in_dim3A_285 : i32 to vector<16xi32>
        %gather3A_287 = tpu.vector_load_idx %arg15[%select_n3A, %broadcast_in_dim3A_286] : memref<16x64xf32, #tpu.memory_space<vmem>>[vector<16xi32>, vector<16xi32>], vector<16xf32>,
        %add3A_288 = arith.addi %gather3A, %broadcast_in_dim3A_286 : vector<16xi32>
        %gather3A_289 = tpu.vector_load_idx %arg14[%add3A_162, %add3A_288] : memref<320x128xf32, #tpu.memory_space<vmem>>[vector<16xi32>, vector<16xi32>], vector<16xf32>,
        %mul3A_290 = arith.mulf %gather3A_287, %gather3A_289 : vector<16xf32>
        %add3A_291 = arith.addf %add3A_284, %mul3A_290 : vector<16xf32>
        %broadcast_in_dim3A_292 = arith.constant 15 : i32
        %broadcast_in_dim3A_293 = vector.broadcast %broadcast_in_dim3A_292 : i32 to vector<16xi32>
        %gather3A_294 = tpu.vector_load_idx %arg15[%select_n3A, %broadcast_in_dim3A_293] : memref<16x64xf32, #tpu.memory_space<vmem>>[vector<16xi32>, vector<16xi32>], vector<16xf32>,
        %add3A_295 = arith.addi %gather3A, %broadcast_in_dim3A_293 : vector<16xi32>
        %gather3A_296 = tpu.vector_load_idx %arg14[%add3A_162, %add3A_295] : memref<320x128xf32, #tpu.memory_space<vmem>>[vector<16xi32>, vector<16xi32>], vector<16xf32>,
        %mul3A_297 = arith.mulf %gather3A_294, %gather3A_296 : vector<16xf32>
        %add3A_298 = arith.addf %add3A_291, %mul3A_297 : vector<16xf32>
        %broadcast_in_dim3A_299 = arith.constant 16 : i32
        %broadcast_in_dim3A_300 = vector.broadcast %broadcast_in_dim3A_299 : i32 to vector<16xi32>
        %gather3A_301 = tpu.vector_load_idx %arg15[%select_n3A, %broadcast_in_dim3A_300] : memref<16x64xf32, #tpu.memory_space<vmem>>[vector<16xi32>, vector<16xi32>], vector<16xf32>,
        %add3A_302 = arith.addi %gather3A, %broadcast_in_dim3A_300 : vector<16xi32>
        %gather3A_303 = tpu.vector_load_idx %arg14[%add3A_162, %add3A_302] : memref<320x128xf32, #tpu.memory_space<vmem>>[vector<16xi32>, vector<16xi32>], vector<16xf32>,
        %mul3A_304 = arith.mulf %gather3A_301, %gather3A_303 : vector<16xf32>
        %add3A_305 = arith.addf %add3A_298, %mul3A_304 : vector<16xf32>
        %broadcast_in_dim3A_306 = arith.constant 17 : i32
        %broadcast_in_dim3A_307 = vector.broadcast %broadcast_in_dim3A_306 : i32 to vector<16xi32>
        %gather3A_308 = tpu.vector_load_idx %arg15[%select_n3A, %broadcast_in_dim3A_307] : memref<16x64xf32, #tpu.memory_space<vmem>>[vector<16xi32>, vector<16xi32>], vector<16xf32>,
        %add3A_309 = arith.addi %gather3A, %broadcast_in_dim3A_307 : vector<16xi32>
        %gather3A_310 = tpu.vector_load_idx %arg14[%add3A_162, %add3A_309] : memref<320x128xf32, #tpu.memory_space<vmem>>[vector<16xi32>, vector<16xi32>], vector<16xf32>,
        %mul3A_311 = arith.mulf %gather3A_308, %gather3A_310 : vector<16xf32>
        %add3A_312 = arith.addf %add3A_305, %mul3A_311 : vector<16xf32>
        %broadcast_in_dim3A_313 = arith.constant 18 : i32
        %broadcast_in_dim3A_314 = vector.broadcast %broadcast_in_dim3A_313 : i32 to vector<16xi32>
        %gather3A_315 = tpu.vector_load_idx %arg15[%select_n3A, %broadcast_in_dim3A_314] : memref<16x64xf32, #tpu.memory_space<vmem>>[vector<16xi32>, vector<16xi32>], vector<16xf32>,
        %add3A_316 = arith.addi %gather3A, %broadcast_in_dim3A_314 : vector<16xi32>
        %gather3A_317 = tpu.vector_load_idx %arg14[%add3A_162, %add3A_316] : memref<320x128xf32, #tpu.memory_space<vmem>>[vector<16xi32>, vector<16xi32>], vector<16xf32>,
        %mul3A_318 = arith.mulf %gather3A_315, %gather3A_317 : vector<16xf32>
        %add3A_319 = arith.addf %add3A_312, %mul3A_318 : vector<16xf32>
        %broadcast_in_dim3A_320 = arith.constant 19 : i32
        %broadcast_in_dim3A_321 = vector.broadcast %broadcast_in_dim3A_320 : i32 to vector<16xi32>
        %gather3A_322 = tpu.vector_load_idx %arg15[%select_n3A, %broadcast_in_dim3A_321] : memref<16x64xf32, #tpu.memory_space<vmem>>[vector<16xi32>, vector<16xi32>], vector<16xf32>,
        %add3A_323 = arith.addi %gather3A, %broadcast_in_dim3A_321 : vector<16xi32>
        %gather3A_324 = tpu.vector_load_idx %arg14[%add3A_162, %add3A_323] : memref<320x128xf32, #tpu.memory_space<vmem>>[vector<16xi32>, vector<16xi32>], vector<16xf32>,
        %mul3A_325 = arith.mulf %gather3A_322, %gather3A_324 : vector<16xf32>
        %add3A_326 = arith.addf %add3A_319, %mul3A_325 : vector<16xf32>
        %broadcast_in_dim3A_327 = arith.constant 20 : i32
        %broadcast_in_dim3A_328 = vector.broadcast %broadcast_in_dim3A_327 : i32 to vector<16xi32>
        %gather3A_329 = tpu.vector_load_idx %arg15[%select_n3A, %broadcast_in_dim3A_328] : memref<16x64xf32, #tpu.memory_space<vmem>>[vector<16xi32>, vector<16xi32>], vector<16xf32>,
        %add3A_330 = arith.addi %gather3A, %broadcast_in_dim3A_328 : vector<16xi32>
        %gather3A_331 = tpu.vector_load_idx %arg14[%add3A_162, %add3A_330] : memref<320x128xf32, #tpu.memory_space<vmem>>[vector<16xi32>, vector<16xi32>], vector<16xf32>,
        %mul3A_332 = arith.mulf %gather3A_329, %gather3A_331 : vector<16xf32>
        %add3A_333 = arith.addf %add3A_326, %mul3A_332 : vector<16xf32>
        %broadcast_in_dim3A_334 = arith.constant 21 : i32
        %broadcast_in_dim3A_335 = vector.broadcast %broadcast_in_dim3A_334 : i32 to vector<16xi32>
        %gather3A_336 = tpu.vector_load_idx %arg15[%select_n3A, %broadcast_in_dim3A_335] : memref<16x64xf32, #tpu.memory_space<vmem>>[vector<16xi32>, vector<16xi32>], vector<16xf32>,
        %add3A_337 = arith.addi %gather3A, %broadcast_in_dim3A_335 : vector<16xi32>
        %gather3A_338 = tpu.vector_load_idx %arg14[%add3A_162, %add3A_337] : memref<320x128xf32, #tpu.memory_space<vmem>>[vector<16xi32>, vector<16xi32>], vector<16xf32>,
        %mul3A_339 = arith.mulf %gather3A_336, %gather3A_338 : vector<16xf32>
        %add3A_340 = arith.addf %add3A_333, %mul3A_339 : vector<16xf32>
        %broadcast_in_dim3A_341 = arith.constant 22 : i32
        %broadcast_in_dim3A_342 = vector.broadcast %broadcast_in_dim3A_341 : i32 to vector<16xi32>
        %gather3A_343 = tpu.vector_load_idx %arg15[%select_n3A, %broadcast_in_dim3A_342] : memref<16x64xf32, #tpu.memory_space<vmem>>[vector<16xi32>, vector<16xi32>], vector<16xf32>,
        %add3A_344 = arith.addi %gather3A, %broadcast_in_dim3A_342 : vector<16xi32>
        %gather3A_345 = tpu.vector_load_idx %arg14[%add3A_162, %add3A_344] : memref<320x128xf32, #tpu.memory_space<vmem>>[vector<16xi32>, vector<16xi32>], vector<16xf32>,
        %mul3A_346 = arith.mulf %gather3A_343, %gather3A_345 : vector<16xf32>
        %add3A_347 = arith.addf %add3A_340, %mul3A_346 : vector<16xf32>
        %broadcast_in_dim3A_348 = arith.constant 23 : i32
        %broadcast_in_dim3A_349 = vector.broadcast %broadcast_in_dim3A_348 : i32 to vector<16xi32>
        %gather3A_350 = tpu.vector_load_idx %arg15[%select_n3A, %broadcast_in_dim3A_349] : memref<16x64xf32, #tpu.memory_space<vmem>>[vector<16xi32>, vector<16xi32>], vector<16xf32>,
        %add3A_351 = arith.addi %gather3A, %broadcast_in_dim3A_349 : vector<16xi32>
        %gather3A_352 = tpu.vector_load_idx %arg14[%add3A_162, %add3A_351] : memref<320x128xf32, #tpu.memory_space<vmem>>[vector<16xi32>, vector<16xi32>], vector<16xf32>,
        %mul3A_353 = arith.mulf %gather3A_350, %gather3A_352 : vector<16xf32>
        %add3A_354 = arith.addf %add3A_347, %mul3A_353 : vector<16xf32>
        %broadcast_in_dim3A_355 = arith.constant 24 : i32
        %broadcast_in_dim3A_356 = vector.broadcast %broadcast_in_dim3A_355 : i32 to vector<16xi32>
        %gather3A_357 = tpu.vector_load_idx %arg15[%select_n3A, %broadcast_in_dim3A_356] : memref<16x64xf32, #tpu.memory_space<vmem>>[vector<16xi32>, vector<16xi32>], vector<16xf32>,
        %add3A_358 = arith.addi %gather3A, %broadcast_in_dim3A_356 : vector<16xi32>
        %gather3A_359 = tpu.vector_load_idx %arg14[%add3A_162, %add3A_358] : memref<320x128xf32, #tpu.memory_space<vmem>>[vector<16xi32>, vector<16xi32>], vector<16xf32>,
        %mul3A_360 = arith.mulf %gather3A_357, %gather3A_359 : vector<16xf32>
        %add3A_361 = arith.addf %add3A_354, %mul3A_360 : vector<16xf32>
        %broadcast_in_dim3A_362 = arith.constant 25 : i32
        %broadcast_in_dim3A_363 = vector.broadcast %broadcast_in_dim3A_362 : i32 to vector<16xi32>
        %gather3A_364 = tpu.vector_load_idx %arg15[%select_n3A, %broadcast_in_dim3A_363] : memref<16x64xf32, #tpu.memory_space<vmem>>[vector<16xi32>, vector<16xi32>], vector<16xf32>,
        %add3A_365 = arith.addi %gather3A, %broadcast_in_dim3A_363 : vector<16xi32>
        %gather3A_366 = tpu.vector_load_idx %arg14[%add3A_162, %add3A_365] : memref<320x128xf32, #tpu.memory_space<vmem>>[vector<16xi32>, vector<16xi32>], vector<16xf32>,
        %mul3A_367 = arith.mulf %gather3A_364, %gather3A_366 : vector<16xf32>
        %add3A_368 = arith.addf %add3A_361, %mul3A_367 : vector<16xf32>
        %broadcast_in_dim3A_369 = arith.constant 26 : i32
        %broadcast_in_dim3A_370 = vector.broadcast %broadcast_in_dim3A_369 : i32 to vector<16xi32>
        %gather3A_371 = tpu.vector_load_idx %arg15[%select_n3A, %broadcast_in_dim3A_370] : memref<16x64xf32, #tpu.memory_space<vmem>>[vector<16xi32>, vector<16xi32>], vector<16xf32>,
        %add3A_372 = arith.addi %gather3A, %broadcast_in_dim3A_370 : vector<16xi32>
        %gather3A_373 = tpu.vector_load_idx %arg14[%add3A_162, %add3A_372] : memref<320x128xf32, #tpu.memory_space<vmem>>[vector<16xi32>, vector<16xi32>], vector<16xf32>,
        %mul3A_374 = arith.mulf %gather3A_371, %gather3A_373 : vector<16xf32>
        %add3A_375 = arith.addf %add3A_368, %mul3A_374 : vector<16xf32>
        %broadcast_in_dim3A_376 = arith.constant 27 : i32
        %broadcast_in_dim3A_377 = vector.broadcast %broadcast_in_dim3A_376 : i32 to vector<16xi32>
        %gather3A_378 = tpu.vector_load_idx %arg15[%select_n3A, %broadcast_in_dim3A_377] : memref<16x64xf32, #tpu.memory_space<vmem>>[vector<16xi32>, vector<16xi32>], vector<16xf32>,
        %add3A_379 = arith.addi %gather3A, %broadcast_in_dim3A_377 : vector<16xi32>
        %gather3A_380 = tpu.vector_load_idx %arg14[%add3A_162, %add3A_379] : memref<320x128xf32, #tpu.memory_space<vmem>>[vector<16xi32>, vector<16xi32>], vector<16xf32>,
        %mul3A_381 = arith.mulf %gather3A_378, %gather3A_380 : vector<16xf32>
        %add3A_382 = arith.addf %add3A_375, %mul3A_381 : vector<16xf32>
        %broadcast_in_dim3A_383 = arith.constant 28 : i32
        %broadcast_in_dim3A_384 = vector.broadcast %broadcast_in_dim3A_383 : i32 to vector<16xi32>
        %gather3A_385 = tpu.vector_load_idx %arg15[%select_n3A, %broadcast_in_dim3A_384] : memref<16x64xf32, #tpu.memory_space<vmem>>[vector<16xi32>, vector<16xi32>], vector<16xf32>,
        %add3A_386 = arith.addi %gather3A, %broadcast_in_dim3A_384 : vector<16xi32>
        %gather3A_387 = tpu.vector_load_idx %arg14[%add3A_162, %add3A_386] : memref<320x128xf32, #tpu.memory_space<vmem>>[vector<16xi32>, vector<16xi32>], vector<16xf32>,
        %mul3A_388 = arith.mulf %gather3A_385, %gather3A_387 : vector<16xf32>
        %add3A_389 = arith.addf %add3A_382, %mul3A_388 : vector<16xf32>
        %broadcast_in_dim3A_390 = arith.constant 29 : i32
        %broadcast_in_dim3A_391 = vector.broadcast %broadcast_in_dim3A_390 : i32 to vector<16xi32>
        %gather3A_392 = tpu.vector_load_idx %arg15[%select_n3A, %broadcast_in_dim3A_391] : memref<16x64xf32, #tpu.memory_space<vmem>>[vector<16xi32>, vector<16xi32>], vector<16xf32>,
        %add3A_393 = arith.addi %gather3A, %broadcast_in_dim3A_391 : vector<16xi32>
        %gather3A_394 = tpu.vector_load_idx %arg14[%add3A_162, %add3A_393] : memref<320x128xf32, #tpu.memory_space<vmem>>[vector<16xi32>, vector<16xi32>], vector<16xf32>,
        %mul3A_395 = arith.mulf %gather3A_392, %gather3A_394 : vector<16xf32>
        %add3A_396 = arith.addf %add3A_389, %mul3A_395 : vector<16xf32>
        %broadcast_in_dim3A_397 = arith.constant 30 : i32
        %broadcast_in_dim3A_398 = vector.broadcast %broadcast_in_dim3A_397 : i32 to vector<16xi32>
        %gather3A_399 = tpu.vector_load_idx %arg15[%select_n3A, %broadcast_in_dim3A_398] : memref<16x64xf32, #tpu.memory_space<vmem>>[vector<16xi32>, vector<16xi32>], vector<16xf32>,
        %add3A_400 = arith.addi %gather3A, %broadcast_in_dim3A_398 : vector<16xi32>
        %gather3A_401 = tpu.vector_load_idx %arg14[%add3A_162, %add3A_400] : memref<320x128xf32, #tpu.memory_space<vmem>>[vector<16xi32>, vector<16xi32>], vector<16xf32>,
        %mul3A_402 = arith.mulf %gather3A_399, %gather3A_401 : vector<16xf32>
        %add3A_403 = arith.addf %add3A_396, %mul3A_402 : vector<16xf32>
        %broadcast_in_dim3A_404 = arith.constant 31 : i32
        %broadcast_in_dim3A_405 = vector.broadcast %broadcast_in_dim3A_404 : i32 to vector<16xi32>
        %gather3A_406 = tpu.vector_load_idx %arg15[%select_n3A, %broadcast_in_dim3A_405] : memref<16x64xf32, #tpu.memory_space<vmem>>[vector<16xi32>, vector<16xi32>], vector<16xf32>,
        %add3A_407 = arith.addi %gather3A, %broadcast_in_dim3A_405 : vector<16xi32>
        %gather3A_408 = tpu.vector_load_idx %arg14[%add3A_162, %add3A_407] : memref<320x128xf32, #tpu.memory_space<vmem>>[vector<16xi32>, vector<16xi32>], vector<16xf32>,
        %mul3A_409 = arith.mulf %gather3A_406, %gather3A_408 : vector<16xf32>
        %add3A_410 = arith.addf %add3A_403, %mul3A_409 : vector<16xf32>
        %broadcast_in_dim3A_411 = arith.constant 32 : i32
        %broadcast_in_dim3A_412 = vector.broadcast %broadcast_in_dim3A_411 : i32 to vector<16xi32>
        %gather3A_413 = tpu.vector_load_idx %arg15[%select_n3A, %broadcast_in_dim3A_412] : memref<16x64xf32, #tpu.memory_space<vmem>>[vector<16xi32>, vector<16xi32>], vector<16xf32>,
        %add3A_414 = arith.addi %gather3A, %broadcast_in_dim3A_412 : vector<16xi32>
        %gather3A_415 = tpu.vector_load_idx %arg14[%add3A_162, %add3A_414] : memref<320x128xf32, #tpu.memory_space<vmem>>[vector<16xi32>, vector<16xi32>], vector<16xf32>,
        %mul3A_416 = arith.mulf %gather3A_413, %gather3A_415 : vector<16xf32>
        %add3A_417 = arith.addf %add3A_410, %mul3A_416 : vector<16xf32>
        %broadcast_in_dim3A_418 = arith.constant 33 : i32
        %broadcast_in_dim3A_419 = vector.broadcast %broadcast_in_dim3A_418 : i32 to vector<16xi32>
        %gather3A_420 = tpu.vector_load_idx %arg15[%select_n3A, %broadcast_in_dim3A_419] : memref<16x64xf32, #tpu.memory_space<vmem>>[vector<16xi32>, vector<16xi32>], vector<16xf32>,
        %add3A_421 = arith.addi %gather3A, %broadcast_in_dim3A_419 : vector<16xi32>
        %gather3A_422 = tpu.vector_load_idx %arg14[%add3A_162, %add3A_421] : memref<320x128xf32, #tpu.memory_space<vmem>>[vector<16xi32>, vector<16xi32>], vector<16xf32>,
        %mul3A_423 = arith.mulf %gather3A_420, %gather3A_422 : vector<16xf32>
        %add3A_424 = arith.addf %add3A_417, %mul3A_423 : vector<16xf32>
        %broadcast_in_dim3A_425 = arith.constant 34 : i32
        %broadcast_in_dim3A_426 = vector.broadcast %broadcast_in_dim3A_425 : i32 to vector<16xi32>
        %gather3A_427 = tpu.vector_load_idx %arg15[%select_n3A, %broadcast_in_dim3A_426] : memref<16x64xf32, #tpu.memory_space<vmem>>[vector<16xi32>, vector<16xi32>], vector<16xf32>,
        %add3A_428 = arith.addi %gather3A, %broadcast_in_dim3A_426 : vector<16xi32>
        %gather3A_429 = tpu.vector_load_idx %arg14[%add3A_162, %add3A_428] : memref<320x128xf32, #tpu.memory_space<vmem>>[vector<16xi32>, vector<16xi32>], vector<16xf32>,
        %mul3A_430 = arith.mulf %gather3A_427, %gather3A_429 : vector<16xf32>
        %add3A_431 = arith.addf %add3A_424, %mul3A_430 : vector<16xf32>
        %broadcast_in_dim3A_432 = arith.constant 35 : i32
        %broadcast_in_dim3A_433 = vector.broadcast %broadcast_in_dim3A_432 : i32 to vector<16xi32>
        %gather3A_434 = tpu.vector_load_idx %arg15[%select_n3A, %broadcast_in_dim3A_433] : memref<16x64xf32, #tpu.memory_space<vmem>>[vector<16xi32>, vector<16xi32>], vector<16xf32>,
        %add3A_435 = arith.addi %gather3A, %broadcast_in_dim3A_433 : vector<16xi32>
        %gather3A_436 = tpu.vector_load_idx %arg14[%add3A_162, %add3A_435] : memref<320x128xf32, #tpu.memory_space<vmem>>[vector<16xi32>, vector<16xi32>], vector<16xf32>,
        %mul3A_437 = arith.mulf %gather3A_434, %gather3A_436 : vector<16xf32>
        %add3A_438 = arith.addf %add3A_431, %mul3A_437 : vector<16xf32>
        %broadcast_in_dim3A_439 = arith.constant 36 : i32
        %broadcast_in_dim3A_440 = vector.broadcast %broadcast_in_dim3A_439 : i32 to vector<16xi32>
        %gather3A_441 = tpu.vector_load_idx %arg15[%select_n3A, %broadcast_in_dim3A_440] : memref<16x64xf32, #tpu.memory_space<vmem>>[vector<16xi32>, vector<16xi32>], vector<16xf32>,
        %add3A_442 = arith.addi %gather3A, %broadcast_in_dim3A_440 : vector<16xi32>
        %gather3A_443 = tpu.vector_load_idx %arg14[%add3A_162, %add3A_442] : memref<320x128xf32, #tpu.memory_space<vmem>>[vector<16xi32>, vector<16xi32>], vector<16xf32>,
        %mul3A_444 = arith.mulf %gather3A_441, %gather3A_443 : vector<16xf32>
        %add3A_445 = arith.addf %add3A_438, %mul3A_444 : vector<16xf32>
        %broadcast_in_dim3A_446 = arith.constant 37 : i32
        %broadcast_in_dim3A_447 = vector.broadcast %broadcast_in_dim3A_446 : i32 to vector<16xi32>
        %gather3A_448 = tpu.vector_load_idx %arg15[%select_n3A, %broadcast_in_dim3A_447] : memref<16x64xf32, #tpu.memory_space<vmem>>[vector<16xi32>, vector<16xi32>], vector<16xf32>,
        %add3A_449 = arith.addi %gather3A, %broadcast_in_dim3A_447 : vector<16xi32>
        %gather3A_450 = tpu.vector_load_idx %arg14[%add3A_162, %add3A_449] : memref<320x128xf32, #tpu.memory_space<vmem>>[vector<16xi32>, vector<16xi32>], vector<16xf32>,
        %mul3A_451 = arith.mulf %gather3A_448, %gather3A_450 : vector<16xf32>
        %add3A_452 = arith.addf %add3A_445, %mul3A_451 : vector<16xf32>
        %broadcast_in_dim3A_453 = arith.constant 38 : i32
        %broadcast_in_dim3A_454 = vector.broadcast %broadcast_in_dim3A_453 : i32 to vector<16xi32>
        %gather3A_455 = tpu.vector_load_idx %arg15[%select_n3A, %broadcast_in_dim3A_454] : memref<16x64xf32, #tpu.memory_space<vmem>>[vector<16xi32>, vector<16xi32>], vector<16xf32>,
        %add3A_456 = arith.addi %gather3A, %broadcast_in_dim3A_454 : vector<16xi32>
        %gather3A_457 = tpu.vector_load_idx %arg14[%add3A_162, %add3A_456] : memref<320x128xf32, #tpu.memory_space<vmem>>[vector<16xi32>, vector<16xi32>], vector<16xf32>,
        %mul3A_458 = arith.mulf %gather3A_455, %gather3A_457 : vector<16xf32>
        %add3A_459 = arith.addf %add3A_452, %mul3A_458 : vector<16xf32>
        %broadcast_in_dim3A_460 = arith.constant 39 : i32
        %broadcast_in_dim3A_461 = vector.broadcast %broadcast_in_dim3A_460 : i32 to vector<16xi32>
        %gather3A_462 = tpu.vector_load_idx %arg15[%select_n3A, %broadcast_in_dim3A_461] : memref<16x64xf32, #tpu.memory_space<vmem>>[vector<16xi32>, vector<16xi32>], vector<16xf32>,
        %add3A_463 = arith.addi %gather3A, %broadcast_in_dim3A_461 : vector<16xi32>
        %gather3A_464 = tpu.vector_load_idx %arg14[%add3A_162, %add3A_463] : memref<320x128xf32, #tpu.memory_space<vmem>>[vector<16xi32>, vector<16xi32>], vector<16xf32>,
        %mul3A_465 = arith.mulf %gather3A_462, %gather3A_464 : vector<16xf32>
        %add3A_466 = arith.addf %add3A_459, %mul3A_465 : vector<16xf32>
        %broadcast_in_dim3A_467 = arith.constant 40 : i32
        %broadcast_in_dim3A_468 = vector.broadcast %broadcast_in_dim3A_467 : i32 to vector<16xi32>
        %gather3A_469 = tpu.vector_load_idx %arg15[%select_n3A, %broadcast_in_dim3A_468] : memref<16x64xf32, #tpu.memory_space<vmem>>[vector<16xi32>, vector<16xi32>], vector<16xf32>,
        %add3A_470 = arith.addi %gather3A, %broadcast_in_dim3A_468 : vector<16xi32>
        %gather3A_471 = tpu.vector_load_idx %arg14[%add3A_162, %add3A_470] : memref<320x128xf32, #tpu.memory_space<vmem>>[vector<16xi32>, vector<16xi32>], vector<16xf32>,
        %mul3A_472 = arith.mulf %gather3A_469, %gather3A_471 : vector<16xf32>
        %add3A_473 = arith.addf %add3A_466, %mul3A_472 : vector<16xf32>
        %broadcast_in_dim3A_474 = arith.constant 41 : i32
        %broadcast_in_dim3A_475 = vector.broadcast %broadcast_in_dim3A_474 : i32 to vector<16xi32>
        %gather3A_476 = tpu.vector_load_idx %arg15[%select_n3A, %broadcast_in_dim3A_475] : memref<16x64xf32, #tpu.memory_space<vmem>>[vector<16xi32>, vector<16xi32>], vector<16xf32>,
        %add3A_477 = arith.addi %gather3A, %broadcast_in_dim3A_475 : vector<16xi32>
        %gather3A_478 = tpu.vector_load_idx %arg14[%add3A_162, %add3A_477] : memref<320x128xf32, #tpu.memory_space<vmem>>[vector<16xi32>, vector<16xi32>], vector<16xf32>,
        %mul3A_479 = arith.mulf %gather3A_476, %gather3A_478 : vector<16xf32>
        %add3A_480 = arith.addf %add3A_473, %mul3A_479 : vector<16xf32>
        %broadcast_in_dim3A_481 = arith.constant 42 : i32
        %broadcast_in_dim3A_482 = vector.broadcast %broadcast_in_dim3A_481 : i32 to vector<16xi32>
        %gather3A_483 = tpu.vector_load_idx %arg15[%select_n3A, %broadcast_in_dim3A_482] : memref<16x64xf32, #tpu.memory_space<vmem>>[vector<16xi32>, vector<16xi32>], vector<16xf32>,
        %add3A_484 = arith.addi %gather3A, %broadcast_in_dim3A_482 : vector<16xi32>
        %gather3A_485 = tpu.vector_load_idx %arg14[%add3A_162, %add3A_484] : memref<320x128xf32, #tpu.memory_space<vmem>>[vector<16xi32>, vector<16xi32>], vector<16xf32>,
        %mul3A_486 = arith.mulf %gather3A_483, %gather3A_485 : vector<16xf32>
        %add3A_487 = arith.addf %add3A_480, %mul3A_486 : vector<16xf32>
        %broadcast_in_dim3A_488 = arith.constant 43 : i32
        %broadcast_in_dim3A_489 = vector.broadcast %broadcast_in_dim3A_488 : i32 to vector<16xi32>
        %gather3A_490 = tpu.vector_load_idx %arg15[%select_n3A, %broadcast_in_dim3A_489] : memref<16x64xf32, #tpu.memory_space<vmem>>[vector<16xi32>, vector<16xi32>], vector<16xf32>,
        %add3A_491 = arith.addi %gather3A, %broadcast_in_dim3A_489 : vector<16xi32>
        %gather3A_492 = tpu.vector_load_idx %arg14[%add3A_162, %add3A_491] : memref<320x128xf32, #tpu.memory_space<vmem>>[vector<16xi32>, vector<16xi32>], vector<16xf32>,
        %mul3A_493 = arith.mulf %gather3A_490, %gather3A_492 : vector<16xf32>
        %add3A_494 = arith.addf %add3A_487, %mul3A_493 : vector<16xf32>
        %broadcast_in_dim3A_495 = arith.constant 44 : i32
        %broadcast_in_dim3A_496 = vector.broadcast %broadcast_in_dim3A_495 : i32 to vector<16xi32>
        %gather3A_497 = tpu.vector_load_idx %arg15[%select_n3A, %broadcast_in_dim3A_496] : memref<16x64xf32, #tpu.memory_space<vmem>>[vector<16xi32>, vector<16xi32>], vector<16xf32>,
        %add3A_498 = arith.addi %gather3A, %broadcast_in_dim3A_496 : vector<16xi32>
        %gather3A_499 = tpu.vector_load_idx %arg14[%add3A_162, %add3A_498] : memref<320x128xf32, #tpu.memory_space<vmem>>[vector<16xi32>, vector<16xi32>], vector<16xf32>,
        %mul3A_500 = arith.mulf %gather3A_497, %gather3A_499 : vector<16xf32>
        %add3A_501 = arith.addf %add3A_494, %mul3A_500 : vector<16xf32>
        %broadcast_in_dim3A_502 = arith.constant 45 : i32
        %broadcast_in_dim3A_503 = vector.broadcast %broadcast_in_dim3A_502 : i32 to vector<16xi32>
        %gather3A_504 = tpu.vector_load_idx %arg15[%select_n3A, %broadcast_in_dim3A_503] : memref<16x64xf32, #tpu.memory_space<vmem>>[vector<16xi32>, vector<16xi32>], vector<16xf32>,
        %add3A_505 = arith.addi %gather3A, %broadcast_in_dim3A_503 : vector<16xi32>
        %gather3A_506 = tpu.vector_load_idx %arg14[%add3A_162, %add3A_505] : memref<320x128xf32, #tpu.memory_space<vmem>>[vector<16xi32>, vector<16xi32>], vector<16xf32>,
        %mul3A_507 = arith.mulf %gather3A_504, %gather3A_506 : vector<16xf32>
        %add3A_508 = arith.addf %add3A_501, %mul3A_507 : vector<16xf32>
        %broadcast_in_dim3A_509 = arith.constant 46 : i32
        %broadcast_in_dim3A_510 = vector.broadcast %broadcast_in_dim3A_509 : i32 to vector<16xi32>
        %gather3A_511 = tpu.vector_load_idx %arg15[%select_n3A, %broadcast_in_dim3A_510] : memref<16x64xf32, #tpu.memory_space<vmem>>[vector<16xi32>, vector<16xi32>], vector<16xf32>,
        %add3A_512 = arith.addi %gather3A, %broadcast_in_dim3A_510 : vector<16xi32>
        %gather3A_513 = tpu.vector_load_idx %arg14[%add3A_162, %add3A_512] : memref<320x128xf32, #tpu.memory_space<vmem>>[vector<16xi32>, vector<16xi32>], vector<16xf32>,
        %mul3A_514 = arith.mulf %gather3A_511, %gather3A_513 : vector<16xf32>
        %add3A_515 = arith.addf %add3A_508, %mul3A_514 : vector<16xf32>
        %broadcast_in_dim3A_516 = arith.constant 47 : i32
        %broadcast_in_dim3A_517 = vector.broadcast %broadcast_in_dim3A_516 : i32 to vector<16xi32>
        %gather3A_518 = tpu.vector_load_idx %arg15[%select_n3A, %broadcast_in_dim3A_517] : memref<16x64xf32, #tpu.memory_space<vmem>>[vector<16xi32>, vector<16xi32>], vector<16xf32>,
        %add3A_519 = arith.addi %gather3A, %broadcast_in_dim3A_517 : vector<16xi32>
        %gather3A_520 = tpu.vector_load_idx %arg14[%add3A_162, %add3A_519] : memref<320x128xf32, #tpu.memory_space<vmem>>[vector<16xi32>, vector<16xi32>], vector<16xf32>,
        %mul3A_521 = arith.mulf %gather3A_518, %gather3A_520 : vector<16xf32>
        %add3A_522 = arith.addf %add3A_515, %mul3A_521 : vector<16xf32>
        %broadcast_in_dim3A_523 = arith.constant 48 : i32
        %broadcast_in_dim3A_524 = vector.broadcast %broadcast_in_dim3A_523 : i32 to vector<16xi32>
        %gather3A_525 = tpu.vector_load_idx %arg15[%select_n3A, %broadcast_in_dim3A_524] : memref<16x64xf32, #tpu.memory_space<vmem>>[vector<16xi32>, vector<16xi32>], vector<16xf32>,
        %add3A_526 = arith.addi %gather3A, %broadcast_in_dim3A_524 : vector<16xi32>
        %gather3A_527 = tpu.vector_load_idx %arg14[%add3A_162, %add3A_526] : memref<320x128xf32, #tpu.memory_space<vmem>>[vector<16xi32>, vector<16xi32>], vector<16xf32>,
        %mul3A_528 = arith.mulf %gather3A_525, %gather3A_527 : vector<16xf32>
        %add3A_529 = arith.addf %add3A_522, %mul3A_528 : vector<16xf32>
        %broadcast_in_dim3A_530 = arith.constant 49 : i32
        %broadcast_in_dim3A_531 = vector.broadcast %broadcast_in_dim3A_530 : i32 to vector<16xi32>
        %gather3A_532 = tpu.vector_load_idx %arg15[%select_n3A, %broadcast_in_dim3A_531] : memref<16x64xf32, #tpu.memory_space<vmem>>[vector<16xi32>, vector<16xi32>], vector<16xf32>,
        %add3A_533 = arith.addi %gather3A, %broadcast_in_dim3A_531 : vector<16xi32>
        %gather3A_534 = tpu.vector_load_idx %arg14[%add3A_162, %add3A_533] : memref<320x128xf32, #tpu.memory_space<vmem>>[vector<16xi32>, vector<16xi32>], vector<16xf32>,
        %mul3A_535 = arith.mulf %gather3A_532, %gather3A_534 : vector<16xf32>
        %add3A_536 = arith.addf %add3A_529, %mul3A_535 : vector<16xf32>
        %broadcast_in_dim3A_537 = arith.constant 50 : i32
        %broadcast_in_dim3A_538 = vector.broadcast %broadcast_in_dim3A_537 : i32 to vector<16xi32>
        %gather3A_539 = tpu.vector_load_idx %arg15[%select_n3A, %broadcast_in_dim3A_538] : memref<16x64xf32, #tpu.memory_space<vmem>>[vector<16xi32>, vector<16xi32>], vector<16xf32>,
        %add3A_540 = arith.addi %gather3A, %broadcast_in_dim3A_538 : vector<16xi32>
        %gather3A_541 = tpu.vector_load_idx %arg14[%add3A_162, %add3A_540] : memref<320x128xf32, #tpu.memory_space<vmem>>[vector<16xi32>, vector<16xi32>], vector<16xf32>,
        %mul3A_542 = arith.mulf %gather3A_539, %gather3A_541 : vector<16xf32>
        %add3A_543 = arith.addf %add3A_536, %mul3A_542 : vector<16xf32>
        %broadcast_in_dim3A_544 = arith.constant 51 : i32
        %broadcast_in_dim3A_545 = vector.broadcast %broadcast_in_dim3A_544 : i32 to vector<16xi32>
        %gather3A_546 = tpu.vector_load_idx %arg15[%select_n3A, %broadcast_in_dim3A_545] : memref<16x64xf32, #tpu.memory_space<vmem>>[vector<16xi32>, vector<16xi32>], vector<16xf32>,
        %add3A_547 = arith.addi %gather3A, %broadcast_in_dim3A_545 : vector<16xi32>
        %gather3A_548 = tpu.vector_load_idx %arg14[%add3A_162, %add3A_547] : memref<320x128xf32, #tpu.memory_space<vmem>>[vector<16xi32>, vector<16xi32>], vector<16xf32>,
        %mul3A_549 = arith.mulf %gather3A_546, %gather3A_548 : vector<16xf32>
        %add3A_550 = arith.addf %add3A_543, %mul3A_549 : vector<16xf32>
        %broadcast_in_dim3A_551 = arith.constant 52 : i32
        %broadcast_in_dim3A_552 = vector.broadcast %broadcast_in_dim3A_551 : i32 to vector<16xi32>
        %gather3A_553 = tpu.vector_load_idx %arg15[%select_n3A, %broadcast_in_dim3A_552] : memref<16x64xf32, #tpu.memory_space<vmem>>[vector<16xi32>, vector<16xi32>], vector<16xf32>,
        %add3A_554 = arith.addi %gather3A, %broadcast_in_dim3A_552 : vector<16xi32>
        %gather3A_555 = tpu.vector_load_idx %arg14[%add3A_162, %add3A_554] : memref<320x128xf32, #tpu.memory_space<vmem>>[vector<16xi32>, vector<16xi32>], vector<16xf32>,
        %mul3A_556 = arith.mulf %gather3A_553, %gather3A_555 : vector<16xf32>
        %add3A_557 = arith.addf %add3A_550, %mul3A_556 : vector<16xf32>
        %broadcast_in_dim3A_558 = arith.constant 53 : i32
        %broadcast_in_dim3A_559 = vector.broadcast %broadcast_in_dim3A_558 : i32 to vector<16xi32>
        %gather3A_560 = tpu.vector_load_idx %arg15[%select_n3A, %broadcast_in_dim3A_559] : memref<16x64xf32, #tpu.memory_space<vmem>>[vector<16xi32>, vector<16xi32>], vector<16xf32>,
        %add3A_561 = arith.addi %gather3A, %broadcast_in_dim3A_559 : vector<16xi32>
        %gather3A_562 = tpu.vector_load_idx %arg14[%add3A_162, %add3A_561] : memref<320x128xf32, #tpu.memory_space<vmem>>[vector<16xi32>, vector<16xi32>], vector<16xf32>,
        %mul3A_563 = arith.mulf %gather3A_560, %gather3A_562 : vector<16xf32>
        %add3A_564 = arith.addf %add3A_557, %mul3A_563 : vector<16xf32>
        %broadcast_in_dim3A_565 = arith.constant 54 : i32
        %broadcast_in_dim3A_566 = vector.broadcast %broadcast_in_dim3A_565 : i32 to vector<16xi32>
        %gather3A_567 = tpu.vector_load_idx %arg15[%select_n3A, %broadcast_in_dim3A_566] : memref<16x64xf32, #tpu.memory_space<vmem>>[vector<16xi32>, vector<16xi32>], vector<16xf32>,
        %add3A_568 = arith.addi %gather3A, %broadcast_in_dim3A_566 : vector<16xi32>
        %gather3A_569 = tpu.vector_load_idx %arg14[%add3A_162, %add3A_568] : memref<320x128xf32, #tpu.memory_space<vmem>>[vector<16xi32>, vector<16xi32>], vector<16xf32>,
        %mul3A_570 = arith.mulf %gather3A_567, %gather3A_569 : vector<16xf32>
        %add3A_571 = arith.addf %add3A_564, %mul3A_570 : vector<16xf32>
        %broadcast_in_dim3A_572 = arith.constant 55 : i32
        %broadcast_in_dim3A_573 = vector.broadcast %broadcast_in_dim3A_572 : i32 to vector<16xi32>
        %gather3A_574 = tpu.vector_load_idx %arg15[%select_n3A, %broadcast_in_dim3A_573] : memref<16x64xf32, #tpu.memory_space<vmem>>[vector<16xi32>, vector<16xi32>], vector<16xf32>,
        %add3A_575 = arith.addi %gather3A, %broadcast_in_dim3A_573 : vector<16xi32>
        %gather3A_576 = tpu.vector_load_idx %arg14[%add3A_162, %add3A_575] : memref<320x128xf32, #tpu.memory_space<vmem>>[vector<16xi32>, vector<16xi32>], vector<16xf32>,
        %mul3A_577 = arith.mulf %gather3A_574, %gather3A_576 : vector<16xf32>
        %add3A_578 = arith.addf %add3A_571, %mul3A_577 : vector<16xf32>
        %broadcast_in_dim3A_579 = arith.constant 56 : i32
        %broadcast_in_dim3A_580 = vector.broadcast %broadcast_in_dim3A_579 : i32 to vector<16xi32>
        %gather3A_581 = tpu.vector_load_idx %arg15[%select_n3A, %broadcast_in_dim3A_580] : memref<16x64xf32, #tpu.memory_space<vmem>>[vector<16xi32>, vector<16xi32>], vector<16xf32>,
        %add3A_582 = arith.addi %gather3A, %broadcast_in_dim3A_580 : vector<16xi32>
        %gather3A_583 = tpu.vector_load_idx %arg14[%add3A_162, %add3A_582] : memref<320x128xf32, #tpu.memory_space<vmem>>[vector<16xi32>, vector<16xi32>], vector<16xf32>,
        %mul3A_584 = arith.mulf %gather3A_581, %gather3A_583 : vector<16xf32>
        %add3A_585 = arith.addf %add3A_578, %mul3A_584 : vector<16xf32>
        %broadcast_in_dim3A_586 = arith.constant 57 : i32
        %broadcast_in_dim3A_587 = vector.broadcast %broadcast_in_dim3A_586 : i32 to vector<16xi32>
        %gather3A_588 = tpu.vector_load_idx %arg15[%select_n3A, %broadcast_in_dim3A_587] : memref<16x64xf32, #tpu.memory_space<vmem>>[vector<16xi32>, vector<16xi32>], vector<16xf32>,
        %add3A_589 = arith.addi %gather3A, %broadcast_in_dim3A_587 : vector<16xi32>
        %gather3A_590 = tpu.vector_load_idx %arg14[%add3A_162, %add3A_589] : memref<320x128xf32, #tpu.memory_space<vmem>>[vector<16xi32>, vector<16xi32>], vector<16xf32>,
        %mul3A_591 = arith.mulf %gather3A_588, %gather3A_590 : vector<16xf32>
        %add3A_592 = arith.addf %add3A_585, %mul3A_591 : vector<16xf32>
        %broadcast_in_dim3A_593 = arith.constant 58 : i32
        %broadcast_in_dim3A_594 = vector.broadcast %broadcast_in_dim3A_593 : i32 to vector<16xi32>
        %gather3A_595 = tpu.vector_load_idx %arg15[%select_n3A, %broadcast_in_dim3A_594] : memref<16x64xf32, #tpu.memory_space<vmem>>[vector<16xi32>, vector<16xi32>], vector<16xf32>,
        %add3A_596 = arith.addi %gather3A, %broadcast_in_dim3A_594 : vector<16xi32>
        %gather3A_597 = tpu.vector_load_idx %arg14[%add3A_162, %add3A_596] : memref<320x128xf32, #tpu.memory_space<vmem>>[vector<16xi32>, vector<16xi32>], vector<16xf32>,
        %mul3A_598 = arith.mulf %gather3A_595, %gather3A_597 : vector<16xf32>
        %add3A_599 = arith.addf %add3A_592, %mul3A_598 : vector<16xf32>
        %broadcast_in_dim3A_600 = arith.constant 59 : i32
        %broadcast_in_dim3A_601 = vector.broadcast %broadcast_in_dim3A_600 : i32 to vector<16xi32>
        %gather3A_602 = tpu.vector_load_idx %arg15[%select_n3A, %broadcast_in_dim3A_601] : memref<16x64xf32, #tpu.memory_space<vmem>>[vector<16xi32>, vector<16xi32>], vector<16xf32>,
        %add3A_603 = arith.addi %gather3A, %broadcast_in_dim3A_601 : vector<16xi32>
        %gather3A_604 = tpu.vector_load_idx %arg14[%add3A_162, %add3A_603] : memref<320x128xf32, #tpu.memory_space<vmem>>[vector<16xi32>, vector<16xi32>], vector<16xf32>,
        %mul3A_605 = arith.mulf %gather3A_602, %gather3A_604 : vector<16xf32>
        %add3A_606 = arith.addf %add3A_599, %mul3A_605 : vector<16xf32>
        %broadcast_in_dim3A_607 = arith.constant 60 : i32
        %broadcast_in_dim3A_608 = vector.broadcast %broadcast_in_dim3A_607 : i32 to vector<16xi32>
        %gather3A_609 = tpu.vector_load_idx %arg15[%select_n3A, %broadcast_in_dim3A_608] : memref<16x64xf32, #tpu.memory_space<vmem>>[vector<16xi32>, vector<16xi32>], vector<16xf32>,
        %add3A_610 = arith.addi %gather3A, %broadcast_in_dim3A_608 : vector<16xi32>
        %gather3A_611 = tpu.vector_load_idx %arg14[%add3A_162, %add3A_610] : memref<320x128xf32, #tpu.memory_space<vmem>>[vector<16xi32>, vector<16xi32>], vector<16xf32>,
        %mul3A_612 = arith.mulf %gather3A_609, %gather3A_611 : vector<16xf32>
        %add3A_613 = arith.addf %add3A_606, %mul3A_612 : vector<16xf32>
        %broadcast_in_dim3A_614 = arith.constant 61 : i32
        %broadcast_in_dim3A_615 = vector.broadcast %broadcast_in_dim3A_614 : i32 to vector<16xi32>
        %gather3A_616 = tpu.vector_load_idx %arg15[%select_n3A, %broadcast_in_dim3A_615] : memref<16x64xf32, #tpu.memory_space<vmem>>[vector<16xi32>, vector<16xi32>], vector<16xf32>,
        %add3A_617 = arith.addi %gather3A, %broadcast_in_dim3A_615 : vector<16xi32>
        %gather3A_618 = tpu.vector_load_idx %arg14[%add3A_162, %add3A_617] : memref<320x128xf32, #tpu.memory_space<vmem>>[vector<16xi32>, vector<16xi32>], vector<16xf32>,
        %mul3A_619 = arith.mulf %gather3A_616, %gather3A_618 : vector<16xf32>
        %add3A_620 = arith.addf %add3A_613, %mul3A_619 : vector<16xf32>
        %broadcast_in_dim3A_621 = arith.constant 62 : i32
        %broadcast_in_dim3A_622 = vector.broadcast %broadcast_in_dim3A_621 : i32 to vector<16xi32>
        %gather3A_623 = tpu.vector_load_idx %arg15[%select_n3A, %broadcast_in_dim3A_622] : memref<16x64xf32, #tpu.memory_space<vmem>>[vector<16xi32>, vector<16xi32>], vector<16xf32>,
        %add3A_624 = arith.addi %gather3A, %broadcast_in_dim3A_622 : vector<16xi32>
        %gather3A_625 = tpu.vector_load_idx %arg14[%add3A_162, %add3A_624] : memref<320x128xf32, #tpu.memory_space<vmem>>[vector<16xi32>, vector<16xi32>], vector<16xf32>,
        %mul3A_626 = arith.mulf %gather3A_623, %gather3A_625 : vector<16xf32>
        %add3A_627 = arith.addf %add3A_620, %mul3A_626 : vector<16xf32>
        %broadcast_in_dim3A_628 = arith.constant 63 : i32
        %broadcast_in_dim3A_629 = vector.broadcast %broadcast_in_dim3A_628 : i32 to vector<16xi32>
        %gather3A_630 = tpu.vector_load_idx %arg15[%select_n3A, %broadcast_in_dim3A_629] : memref<16x64xf32, #tpu.memory_space<vmem>>[vector<16xi32>, vector<16xi32>], vector<16xf32>,
        %add3A_631 = arith.addi %gather3A, %broadcast_in_dim3A_629 : vector<16xi32>
        %gather3A_632 = tpu.vector_load_idx %arg14[%add3A_162, %add3A_631] : memref<320x128xf32, #tpu.memory_space<vmem>>[vector<16xi32>, vector<16xi32>], vector<16xf32>,
        %mul3A_633 = arith.mulf %gather3A_630, %gather3A_632 : vector<16xf32>
        %add3A_634 = arith.addf %add3A_627, %mul3A_633 : vector<16xf32>
        %mul3A_635 = arith.constant 16 : i32
        %mul3A_636 = arith.muli %scan3A_158, %mul3A_635 : i32
        %swap3A = arith.index_cast %mul3A_636 : i32 to index
        %swap3A_637 = tpu.vector_load %arg16[%swap3A] {strides = array<i32>} : memref<320xf32, #tpu.memory_space<vmem>>, vector<16xf32>,
        tpu.vector_store %arg16[%swap3A], %add3A_634 {strides = array<i32>} : memref<320xf32, #tpu.memory_space<vmem>>, vector<16xf32>,
      }
      %scan3A_157 = arith.constant 20 : i32
      "tpu.region"() ({
        %run_scoped3A = tpu.sem_alloc : memref<!tpu.dma_semaphore, #tpu.memory_space<semaphore_mem>>
        %dma_start3A_158 = tpu.memref_slice %arg6[%mul3A_13] : memref<81920xf32, #tpu.memory_space<hbm>> -> memref<320xf32, #tpu.memory_space<hbm>>
        %dma_start3A_159 = tpu.memref_slice %arg6[%mul3A_13] : memref<81920xf32, #tpu.memory_space<hbm>> -> memref<320xf32, #tpu.memory_space<hbm>>
        tpu.enqueue_dma source(%arg16 : memref<320xf32, #tpu.memory_space<vmem>>) target(%dma_start3A_159 : memref<320xf32, #tpu.memory_space<hbm>>) target_semaphore(%run_scoped3A : memref<!tpu.dma_semaphore, #tpu.memory_space<semaphore_mem>>)
        %dma_wait3A_160 = tpu.memref_slice %arg6[%mul3A_13] : memref<81920xf32, #tpu.memory_space<hbm>> -> memref<320xf32, #tpu.memory_space<hbm>>
        %dma_wait3A_161 = tpu.memref_slice %arg6[%mul3A_13] : memref<81920xf32, #tpu.memory_space<hbm>> -> memref<320xf32, #tpu.memory_space<hbm>>
        tpu.wait_dma2 semaphore(%run_scoped3A : memref<!tpu.dma_semaphore, #tpu.memory_space<semaphore_mem>>) src(%arg16 : memref<320xf32, #tpu.memory_space<vmem>>) dst(%dma_wait3A_161 : memref<320xf32, #tpu.memory_space<hbm>>)
        tpu.yield
      }) : () -> ()
    }
    %scan3A_5 = arith.constant 8 : i32
    return
  }
}

module attributes {stable_mosaic.version = 14 : i64} {
  func.func @_tc_loss_body(%arg0: memref<4096x20xf32, #tpu.memory_space<vmem>>, %arg1: memref<4096x20xf32, #tpu.memory_space<vmem>>, %arg2: memref<4096x20xf32, #tpu.memory_space<vmem>>, %arg3: memref<1x1xf32, #tpu.memory_space<vmem>>) attributes {dimension_semantics = [], scalar_prefetch = 0 : i64, scratch_operands = 0 : i64, tpu.core_type = #tpu.core_type<tc>} {
    %get3A = arith.constant 0 : index
    %get3A_0 = arith.constant 0 : index
    %get3A_1 = vector.load %arg0[%get3A, %get3A_0] : memref<4096x20xf32, #tpu.memory_space<vmem>>, vector<4096x20xf32>
    %get3A_2 = arith.constant 0 : index
    %get3A_3 = arith.constant 0 : index
    %get3A_4 = vector.load %arg1[%get3A_2, %get3A_3] : memref<4096x20xf32, #tpu.memory_space<vmem>>, vector<4096x20xf32>
    %get3A_5 = arith.constant 0 : index
    %get3A_6 = arith.constant 0 : index
    %get3A_7 = vector.load %arg2[%get3A_5, %get3A_6] : memref<4096x20xf32, #tpu.memory_space<vmem>>, vector<4096x20xf32>
    %max3A = arith.constant 0.000000e+00 : f32
    %max3A_8 = vector.broadcast %max3A : f32 to vector<4096x20xf32>
    %max3A_9 = arith.maximumf %get3A_1, %max3A_8 : vector<4096x20xf32>
    %mul3A = arith.mulf %get3A_1, %get3A_7 : vector<4096x20xf32>
    %sub3A = arith.subf %max3A_9, %mul3A : vector<4096x20xf32>
    %abs3A = math.absf %get3A_1 : vector<4096x20xf32>
    %neg3A = arith.constant 0.000000e+00 : f32
    %neg3A_10 = vector.broadcast %neg3A : f32 to vector<4096x20xf32>
    %neg3A_11 = arith.subf %neg3A_10, %abs3A : vector<4096x20xf32>
    %exp3A = math.exp %neg3A_11 : vector<4096x20xf32>
    %log1p3A = math.log1p %exp3A : vector<4096x20xf32>
    %add3A = arith.addf %sub3A, %log1p3A : vector<4096x20xf32>
    %mul3A_12 = arith.mulf %get3A_4, %add3A : vector<4096x20xf32>
    %reduce_sum3A = arith.constant dense<0.000000e+00> : vector<4096xf32>
    %reduce_sum3A_13 = vector.multi_reduction <add>, %mul3A_12, %reduce_sum3A [1] : vector<4096x20xf32> to vector<4096xf32>
    %broadcast_in_dim3A = vector.shape_cast %reduce_sum3A_13 : vector<4096xf32> to vector<4096x1xf32>
    %reduce_sum3A_14 = arith.constant dense<0.000000e+00> : vector<4096xf32>
    %reduce_sum3A_15 = vector.multi_reduction <add>, %get3A_4, %reduce_sum3A_14 [1] : vector<4096x20xf32> to vector<4096xf32>
    %broadcast_in_dim3A_16 = vector.shape_cast %reduce_sum3A_15 : vector<4096xf32> to vector<4096x1xf32>
    %div3A = arith.divf %broadcast_in_dim3A, %broadcast_in_dim3A_16 : vector<4096x1xf32>
    %reduce_sum3A_17 = arith.constant dense<0.000000e+00> : vector<1xf32>
    %reduce_sum3A_18 = vector.multi_reduction <add>, %div3A, %reduce_sum3A_17 [0] : vector<4096x1xf32> to vector<1xf32>
    %broadcast_in_dim3A_19 = vector.shape_cast %reduce_sum3A_18 : vector<1xf32> to vector<1x1xf32>
    %div3A_20 = arith.constant 4.096000e+03 : f32
    %div3A_21 = vector.broadcast %div3A_20 : f32 to vector<1x1xf32>
    %div3A_22 = arith.divf %broadcast_in_dim3A_19, %div3A_21 : vector<1x1xf32>
    %swap3A = arith.constant 0 : index
    %swap3A_23 = arith.constant 0 : index
    %swap3A_24 = vector.load %arg3[%swap3A, %swap3A_23] : memref<1x1xf32, #tpu.memory_space<vmem>>, vector<1x1xf32>
    tpu.vector_store %arg3[%swap3A, %swap3A_23], %div3A_22 {strides = array<i32>} : memref<1x1xf32, #tpu.memory_space<vmem>>, vector<1x1xf32>,
    return
  }
}

</mosaic_0001>

<sc_bundles>
// kernel: kernel.4.cloned.1.call-start
scs
__scs_entry_jumppad:
0x0: {  	(pc) =	sbr.rel $0x88, $3  }
0x1: {  	(tag) =	ssettag $0x0;
	lr =	simm.s32 $0x1  }
0x2: {  	[smem:$0x3F9B] =	sst lr;
	_ =	strace $0xD0000000  }
0x3: {  	_ = 	snop  }
0x4: {  	_ = 	snop  }
0x5: {  	_ = 	snop  }
0x6: {  	_ = 	snop  }
0x7: {  	_ = 	snop  }
__scs_overlays_trampoline_lowered:
0x8: {  	[smem:$0x3FAA] =	sst s0  }
0x9: {  	[smem:$0x3FAB] =	sst s1  }
0xa: {  	[smem:$0x3FAC] =	sst s2  }
0xb: {  	[smem:$0x3FAD] =	sst s3  }
0xc: {  	[smem:$0x3FAE] =	sst s4  }
0xd: {  	[smem:$0x3FAF] =	sst s5  }
0xe: {  	[smem:$0x3FB0] =	sst s6  }
0xf: {  	[smem:$0x3FB1] =	sst s7  }
0x10: {  	[smem:$0x3FB2] =	sst s8  }
0x11: {  	[smem:$0x3FB3] =	sst s9;
	s0 =	simm.s32 @!p0 $0x0  }
0x12: {  	s1 =	sld [smem:$0x3F99];
	s0 =	simm.s32 @p0 $0x1  }
0x13: {  	[smem:$0x3FB4] =	sst s0;
	s0 =	simm.s32 @!p1 $0x0  }
0x14: {  	s2 =	sld [smem:$0x3F98];
	s0 =	simm.s32 @p1 $0x1  }
0x15: {  	[smem:$0x3FB5] =	sst s0;
	s0 =	simm.s32 @!p2 $0x0  }
0x16: {  	s3 =	sld [smem:$0x3FDB];
	s0 =	simm.s32 @p2 $0x1  }
0x17: {  	s4 =	simm.s32 $0x1BF5;
	[smem:$0x3FB7] =	sst s0  }
0x18: {  	s0 =	sld [smem:$0x3F9A];
	_ =	swait.ge [sflag:s4], $0x0  }
0x19: {  	s7 =	sld [smem:$0x3F9B]  }
0x1a: {  	s8 =	sadd.s32 $0xFFFFE003, lr  }
0x1b: {  	s9 =	sadd.s32 $0xFFFFFEF7, lr;
	s5 =	simm.s32 $0xFFFFFFFF;
	p2 =	slt.u32 s8, $0xFFFFF086  }
0x1c: {  	p1 =	slt.u32 s9, $0xF7A;
	s5 =	simm.s32 @!p2 $0x0  }
0x1d: {  	s5 =	simm.s32 @p1 $0x1;
	p0 =	seq.s32 s7, s2  }
0x1e: {  	s7 =	smul.u32 @!p0 $0xF7A, s2;
	p2 =	seq.s32 @!p0 s5, $0x0  }
0x1f: {  	s9 =	smul.u32 $0xF7A, s1;
	s8 =	simm.s32 @!p0 $0x1BF5;
	p2 =	por !p2, p0  }
0x20: {  	[sflag:s8] =	ssyncset.s32 @!p0 $0xFFFFF086;
	s6 =	sadd.s32 @!p0 s3, s7;
	s7 =	simm.s32 @!p0 $0x108  }
0x21: {  	s3 =	sadd.s32 s3, s9;
	s6 =	sadd.s32 @!p0 $0x88, s6;
	s7 =	simm.s32 @p2 $0x1082  }
0x22: {  	[simem:s7], [sflag:s8] =	dma.local @!p0 [hbm:s6], $0xF7A  }
0x23: {  	s9 =	sor.u32 $0xD0000000, s2;
	s6 =	simm.s32 $0x108;
	_ =	swait.ge @!p0 [sflag:s8], $0x0  }
0x24: {  	s3 =	sadd.s32 $0x88, s3;
	s6 =	simm.s32 @!p1 $0x1082;
	[sflag:s4] =	ssyncset.s32 $0xFFFFF086  }
0x25: {  	[simem:s6], [sflag:s4] =	dma.local [hbm:s3], $0xF7A  }
0x26: {  	[smem:$0x3F9B] =	sst s1;
	(tag) =	ssettag s2;
	_ =	strace s9  }
0x27: {  	s1 =	sld [smem:$0x3FAB]  }
0x28: {  	s2 =	sld [smem:$0x3FAC]  }
0x29: {  	s4 =	sld [smem:$0x3FAE]  }
0x2a: {  	p0 =	seq.s32 s5, $0x0;
	s5 =	sld [smem:$0x3FAF]  }
0x2b: {  	s6 =	sld [smem:$0x3FB0]  }
0x2c: {  	s7 =	sld [smem:$0x3FB1]  }
0x2d: {  	s3 =	simm.s32 $0x108;
	s8 =	sld [smem:$0x3FB2]  }
0x2e: {  	s3 =	simm.s32 @!p0 $0x1082;
	s9 =	sld [smem:$0x3FB3]  }
0x2f: {  	lr =	sadd.s32 s0, s3;
	s0 =	sld [smem:$0x3FAA]  }
0x30: {  	s3 =	sld [smem:$0x3FAD]  }
0x31: {  	[smem:$0x3FB6] =	sst s10  }
0x32: {  	s10 =	sld [smem:$0x3FB4];
	_ =	sdelay $0x3  }
0x33: {  	p0 =	seq.s32 s10, $0x1;
	s10 =	sld [smem:$0x3FB6];
	_ =	sdelay $0x3  }
0x34: {  	[smem:$0x3FB6] =	sst s10  }
0x35: {  	s10 =	sld [smem:$0x3FB5];
	_ =	sdelay $0x3  }
0x36: {  	p1 =	seq.s32 s10, $0x1;
	s10 =	sld [smem:$0x3FB6];
	_ =	sdelay $0x3  }
0x37: {  	[smem:$0x3FB6] =	sst s10  }
0x38: {  	s10 =	sld [smem:$0x3FB7]  }
0x39: {  	_ = 	snop;
	(pc) =	sbr.ind lr, $3  }
0x3a: {  	_ = 	snop  }
0x3b: {  	_ = 	snop  }
0x3c: {  	p2 =	seq.s32 s10, $0x1;
	s10 =	sld [smem:$0x3FB6]  }
0x3d: {  	_ =	shalt  }
0x3e: {  	_ =	shalt  }
0x3f: {  	_ =	shalt  }
0x40: {  	_ =	shalt  }
0x41: {  	_ =	shalt  }
0x42: {  	_ =	shalt  }
0x43: {  	_ =	shalt  }
0x44: {  	_ =	shalt  }
0x45: {  	_ =	shalt  }
0x46: {  	_ =	shalt  }
0x47: {  	_ =	shalt  }
0x48: {  	_ =	shalt  }
0x49: {  	_ =	shalt  }
0x4a: {  	_ =	shalt  }
0x4b: {  	_ =	shalt  }
0x4c: {  	_ =	shalt  }
0x4d: {  	_ =	shalt  }
0x4e: {  	_ =	shalt  }
0x4f: {  	_ =	shalt  }
0x50: {  	_ =	shalt  }
0x51: {  	_ =	shalt  }
0x52: {  	_ =	shalt  }
0x53: {  	_ =	shalt  }
0x54: {  	_ =	shalt  }
0x55: {  	_ =	shalt  }
0x56: {  	_ =	shalt  }
0x57: {  	_ =	shalt  }
0x58: {  	_ =	shalt  }
0x59: {  	_ =	shalt  }
0x5a: {  	_ =	shalt  }
0x5b: {  	_ =	shalt  }
0x5c: {  	_ =	shalt  }
0x5d: {  	_ =	shalt  }
0x5e: {  	_ =	shalt  }
0x5f: {  	_ =	shalt  }
0x60: {  	_ =	shalt  }
0x61: {  	_ =	shalt  }
0x62: {  	_ =	shalt  }
0x63: {  	_ =	shalt  }
0x64: {  	_ =	shalt  }
0x65: {  	_ =	shalt  }
0x66: {  	_ =	shalt  }
0x67: {  	_ =	shalt  }
0x68: {  	_ =	shalt  }
0x69: {  	_ =	shalt  }
0x6a: {  	_ =	shalt  }
0x6b: {  	_ =	shalt  }
0x6c: {  	_ =	shalt  }
0x6d: {  	_ =	shalt  }
0x6e: {  	_ =	shalt  }
0x6f: {  	_ =	shalt  }
0x70: {  	_ =	shalt  }
0x71: {  	_ =	shalt  }
0x72: {  	_ =	shalt  }
0x73: {  	_ =	shalt  }
0x74: {  	_ =	shalt  }
0x75: {  	_ =	shalt  }
0x76: {  	_ =	shalt  }
0x77: {  	_ =	shalt  }
0x78: {  	_ =	shalt  }
0x79: {  	_ =	shalt  }
0x7a: {  	_ =	shalt  }
0x7b: {  	_ =	shalt  }
0x7c: {  	_ =	shalt  }
0x7d: {  	_ =	shalt  }
0x7e: {  	_ =	shalt  }
0x7f: {  	_ =	shalt  }
0x80: {  	_ =	shalt  }
0x81: {  	_ =	shalt  }
0x82: {  	_ =	shalt  }
0x83: {  	_ =	shalt  }
0x84: {  	_ =	shalt  }
0x85: {  	_ =	shalt  }
0x86: {  	_ =	shalt  }
0x87: {  	_ =	shalt  }
.Lfunc_end0:
.L_simem_size_0:
called_computation_lowered:
.L_overlay_start_0:
0x88: {  	s2 =	sld [smem:$0x3FD9]  }
0x89: {  	s3 =	sld [smem:$0x3FFE];
	_ =	sdelay $0x1  }
0x8a: {  	s1 =	srdreg.scid  }
0x8b: {  	s0 =	sand.u32 $0x1, s1  }
0x8c: {  	s16 =	sshll.u32 s0, $0xA;
	s2 =	sadd.s32 s3, s2  }
0x8d: {  	s2 =	sadd.s32 s2, s16  }
0x8e: {  	[smem:$0x3FC2] =	sst s2  }
0x8f: {  	_ = 	snop  }
0x90: {  	(tm) =	ssettm $0x1  }
0x91: {  	s17 =	sld [smem:$0x3FFB];
	_ =	sdelay $0x3  }
0x92: {  	_ =	strace s17  }
0x93: {  	s2 =	sld [smem:$0x3FFC];
	_ =	sdelay $0x3  }
0x94: {  	_ =	strace s2  }
0x95: {  	s2 =	sld [smem:$0x3FFD];
	_ =	sdelay $0x3  }
0x96: {  	_ =	strace s2  }
0x97: {  	_ =	strace $0x8FFFFFFF  }
0x98: {  	s18 =	sld [smem:$0x3FDB];
	_ =	sdelay $0x1  }
0x99: {  	s19 =	simm.s32 $_scs_section_size  }
0x9a: {  	s4 =	simm.s32 $_size__tile_overlayer_lowered;
	s5 =	simm.s32 $_tile_overlayer_lowered  }
0x9b: {  	s22 =	simm.s32 $0x1BFF;
	s21 =	sshll.u32 s5, $0x1;
	s2 =	sadd.s32 s19, s18  }
0x9c: {  	s6 =	simm.s32 $0x0;
	s20 =	sshll.u32 s4, $0x1;
	s4 =	sadd.s32 s21, s2  }
0x9d: {  	[timem:s6], [sflag:s22] =	dma.local [hbm:s4], s20  }
0x9e: {  	_ =	swait.ge [sflag:s22], s20  }
0x9f: {  	s3 =	ssub.s32 $0x0, s20;
	[sflag:s22] =	ssyncset.done $0x0  }
0xa0: {  	[sflag:s22] =	ssyncadd.s32 s3;
	_ =	sdelay $0x1  }
0xa1: {  	s23 =	simm.s32 $0x1B8B  }
0xa2: {  	_ =	swait.ge [sflag:s23], $0x1  }
0xa3: {  	[sflag:s23] =	ssyncset.done $0x0  }
0xa4: {  	s25 =	simm.s32 $0x1B8E;
	s24 =	sld [smem:$0x3FFE];
	[sflag:s23] =	ssyncadd.s32 $0xFFFFFFFF  }
0xa5: {  	s26 =	simm.s32 $execute0_lowered;
	[smem:$0x3FD2] =	sst s25  }
0xa6: {  	s4 =	sshll.u32 s26, $0x1;
	_ =	strace $0x80000046;
	[dreg:$0x1] =	wrdreg $0xFFFFFFFF  }
0xa7: {  	s28 =	simm.s32 $_size_execute0_lowered;
	s2 =	sadd.s32 s2, s4;
	[dreg:$0x0] =	wrdreg $0x0  }
0xa8: {  	s4 =	sshll.u32 s28, $0x1;
	[dreg:$0x2] =	wrdreg s2  }
0xa9: {  	[dreg:$0x3] =	wrdreg s4  }
0xaa: {  	[dreg:$0x4] =	wrdreg $0xC0  }
0xab: {  	_ =	task [dreg:s6], $0x5FFFF  }
0xac: {  	[dreg:$0x1] =	wrdreg $0xFFFFFFFF  }
0xad: {  	[dreg:$0x0] =	wrdreg $0x60  }
0xae: {  	[dreg:$0x2] =	wrdreg s24  }
0xaf: {  	[dreg:$0x3] =	wrdreg $0x9  }
0xb0: {  	_ =	task.clear_ibuf [dreg:s6], $0x4FFFF;
	_ =	strace $0x90000046  }
0xb1: {  	s29 =	simm.s32 $0x9;
	_ =	strace $0x80000048  }
0xb2: {  	_ =	swait.ge [sflag:s29], $0x1  }
0xb3: {  	[sflag:s29] =	ssyncadd.s32 $0xFFFFFFFF  }
0xb4: {  	_ =	strace $0x90000048  }
0xb5: {  	_ =	sfence  }
0xb6: {  	s30 =	sld [smem:$0x0];
	_ =	sdelay $0x2  }
0xb7: {  	s31 =	sshll.u32 s1, $0xD;
	s1 =	sshrl.u32 s1, $0x2  }
0xb8: {  	s3 =	sand.u32 $0x4000, s31;
	s1 =	sadd.s32 s1, s30  }
0xb9: {  	s0 =	sor.u32 s3, s0;
	s1 =	sshll.u32 s1, $0x11  }
0xba: {  	s0 =	sor.u32 s1, s0  }
0xbb: {  	s0 =	sadd.s32 $0x8F2B, s0  }
0xbc: {  	[sflag:s0] =	ssyncadd.remote.s32 $0x1  }
0xbd: {  	_ =	sfence.sel $0xFFFF  }
0xbe: {  	[dreg:$0x0] =	wrdreg $0xFFFFFFFF;
	(pc) =	sbr.abs _section_cstart, $3  }
0xbf: {  	[dreg:$0x1] =	wrdreg $0xFFFFFFFF  }
0xc0: {  	_ =	task.clear_ibuf [dreg:s6], $0x2FFFF;
	_ =	strace $0x9FFFFFFF  }
0xc1: {  	(tm) =	ssettm $0x7FFFFFFF  }
tec
execute0_lowered:
.L_overlay_start_1:
0x0: {  	(tag) =	ssettag $0x1  }
0x1: {  	s0 =	rddreg [dreg:$0x0]  }
0x2: {  	s1 =	simm.s32 $0x0;
	s24 =	srdreg.scid;
	s3 =	stileid.u32  }
0x3: {  	s5 =	simm.s32 $0x3;
	s16 =	simm.s32 $0xA780;
	[smem:$0x7FF] =	sst s1  }
0x4: {  	s2 =	sadd.s32 $0x3400, s0;
	s25 =	sadd.s32 $0xC00, s0;
	s1 =	sand.u32 $0x1, s24  }
0x5: {  	s26 =	sadd.s32 $0x16E4200, s0;
	_ =	strace $0x80000047;
	[dreg:$0x2] =	wrdreg s2  }
0x6: {  	s28 =	sadd.s32 $0xF43000, s0;
	s0 =	sadd.s32 $0x5C00, s0;
	[dreg:$0x3] =	wrdreg s25  }
0x7: {  	s31 =	sshll.u32 s3, $0x8;
	[dreg:$0x4] =	wrdreg s26;
	s29 =	ssub.s32 $0x2, s1  }
0x8: {  	[dreg:$0x5] =	wrdreg s28;
	s1 =	sshll.u32 s1, $0x7;
	s30 =	sshrl.u32 s29, $0x1  }
0x9: {  	[dreg:$0x6] =	wrdreg s0;
	s1 =	sor.u32 s1, s31;
	s0 =	ssub.s32 s29, s30  }
0xa: {  	v0 =	vlaneseq.u32;
	s4 =	simm.s32 $0x14780;
	[dreg:$0x7] =	wrdreg s1;
	s0 =	smax.u32 s0, $0x1  }
0xb: {  	v1 =	vimm.s32 $0x0;
	v2 =	vor.u32 $0xFFFFFFF8, v0;
	s2 =	simm.s32 $0x0;
	[dreg:$0x8] =	wrdreg s0;
	s0 =	simm.s32 $0x640  }
.LBB2_1:
0xc: {  	[dreg:$0x9] =	wrdreg s2;
	s1 =	simm.s32 $0x0  }
.LBB2_2:
0xd: {  	s2 =	sshll.u32 s1, $0x4;
	s3 =	rddreg [dreg:$0x7]  }
0xe: {  	s2 =	sadd.s32 s3, s2  }
0xf: {  	s2 =	smul.u32 $0x14, s2;
	_ =	sdelay $0x1  }
0x10: {  	s28 =	rddreg [dreg:$0x2];
	s6 =	sshrl.u32 s2, $0x3  }
0x11: {  	s29 =	simm.s32 $0x0;
	s2 =	sadd.s32 s28, s6  }
0x12: {  	[tilespmem:s29], [sflag:$0x3] =	stream.linear.gather [hbm4b:s2+s29], $0x140, $0x38;
	[tilespmem:$0x14CC0] =	vst v63  }
0x13: {  	_ =	swait.ge [sflag:s5], $0x140  }
0x14: {  	s31 =	simm.s32 $0x140;
	[sflag:s5] =	ssyncset.done $0x0;
	s30 =	rddreg [dreg:$0x3]  }
0x15: {  	[dreg:$0xa] =	wrdreg s6;
	[sflag:s5] =	ssyncadd.s32 $0xFFFFFEC0;
	s2 =	sadd.s32 s30, s6  }
0x16: {  	[tilespmem:s31], [sflag:$0x3] =	stream.linear.gather [hbm4b:s2+s29], $0x140, $0x38;
	[tilespmem:$0x14CC0] =	vst v63  }
0x17: {  	_ =	swait.ge [sflag:s5], $0x140  }
0x18: {  	[sflag:s5] =	ssyncset.done $0x0  }
0x19: {  	s2 =	simm.s32 $0x0;
	[sflag:s5] =	ssyncadd.s32 $0xFFFFFEC0  }
0x1a: {  	v4 =	vld [tilespmem:s2+$0x140]  }
0x1b: {  	v3 =	vld [tilespmem:s2+$0x0];
	_ =	sdelay $0x1  }
0x1c: {  	s3 =	simm.s32 $0x40  }
.LBB2_3:
0x1d: {  	p0 =	sne.s32 s3, $0x4C0  }
.Ltmp0:
0x1e: {  	s5 =	sshra.s32 s3, $0x2;
	s3 =	sadd.s32 $0x40, s3;
	v5 =	vshra.s32 v4, $0x1;
	v6 =	vshll.u32 v4, $0x6;
	(pc) =	sbr.rel @p0 .LBB2_3-.Ltmp0, $4  }
0x1f: {  	v4 =	vld [tilespmem:s5+$0x140];
	v7 =	vshra.s32 v3, $0x1;
	v8 =	vshll.u32 v3, $0x6;
	[tilespmem:s2+$0x3C0] =	vst v5;
	v5 =	vand.u32 $0x40, v6  }
0x20: {  	v3 =	vld [tilespmem:s5+$0x0];
	v6 =	vand.u32 $0x40, v8;
	[tilespmem:s2+$0x640] =	vst v5  }
0x21: {  	[tilespmem:s2+$0x500] =	vst v6  }
0x22: {  	[tilespmem:s2+$0x280] =	vst v7;
	s2 =	smov.u32 s5  }
0x23: {  	_ = 	snop  }
0x24: {  	v5 =	vshra.s32 v4, $0x1;
	v62 =	vshll.u32 v4, $0x6  }
0x25: {  	[tilespmem:s2+$0x3C0] =	vst v5;
	v4 =	vand.u32 $0x40, v62  }
0x26: {  	v6 =	vshll.u32 v3, $0x6;
	v3 =	vshra.s32 v3, $0x1;
	[tilespmem:s2+$0x640] =	vst v4  }
0x27: {  	s14 =	rddreg [dreg:$0x4];
	v63 =	vand.u32 $0x40, v6;
	[tilespmem:s2+$0x280] =	vst v3  }
0x28: {  	s5 =	simm.s32 $0x50;
	s3 =	simm.s32 $0x280;
	s6 =	simm.s32 $0x780;
	[tilespmem:s2+$0x500] =	vst v63  }
0x29: {  	[tilespmem:s6], [sflag:$0x1] =	stream.indirect.gather [hbm4b:s14+s5], $0x80, s3, s5, $0xb8;
	[tilespmem:$0x14CC0] =	vst v63  }
0x2a: {  	s15 =	rddreg [dreg:$0x5];
	s17 =	simm.s32 $0x3C0  }
0x2b: {  	[tilespmem:s16], [sflag:$0x2] =	stream.indirect.gather [hbm4b:s15+s5], $0x80, s17, s5, $0xb8;
	[tilespmem:$0x14CC0] =	vst v63  }
0x2c: {  	s18 =	simm.s32 $0x2D0;
	s7 =	simm.s32 $0x2F80  }
0x2d: {  	[tilespmem:s7], [sflag:$0x1] =	stream.indirect.gather [hbm4b:s14+s5], $0x80, s18, s5, $0xb8;
	[tilespmem:$0x14CC0] =	vst v63  }
0x2e: {  	s19 =	simm.s32 $0x410;
	s20 =	simm.s32 $0xCF80  }
0x2f: {  	[tilespmem:s20], [sflag:$0x2] =	stream.indirect.gather [hbm4b:s15+s5], $0x80, s19, s5, $0xb8;
	[tilespmem:$0x14CC0] =	vst v63  }
0x30: {  	s21 =	simm.s32 $0x320;
	s22 =	simm.s32 $0x5780  }
0x31: {  	[tilespmem:s22], [sflag:$0x1] =	stream.indirect.gather [hbm4b:s14+s5], $0x80, s21, s5, $0xb8;
	[tilespmem:$0x14CC0] =	vst v63  }
0x32: {  	s23 =	simm.s32 $0x460;
	s24 =	simm.s32 $0xF780  }
0x33: {  	[tilespmem:s24], [sflag:$0x2] =	stream.indirect.gather [hbm4b:s15+s5], $0x80, s23, s5, $0xb8;
	[tilespmem:$0x14CC0] =	vst v63  }
0x34: {  	s25 =	simm.s32 $0x370;
	s26 =	simm.s32 $0x7F80  }
0x35: {  	[tilespmem:s26], [sflag:$0x1] =	stream.indirect.gather [hbm4b:s14+s5], $0x80, s25, s5, $0xb8;
	[tilespmem:$0x14CC0] =	vst v63  }
0x36: {  	s28 =	simm.s32 $0x4B0;
	s29 =	simm.s32 $0x11F80;
	s30 =	simm.s32 $0x1  }
0x37: {  	[tilespmem:s29], [sflag:$0x2] =	stream.indirect.gather [hbm4b:s15+s5], $0x80, s28, s5, $0xb8;
	[tilespmem:$0x14CC0] =	vst v63  }
0x38: {  	_ =	swait.ge [sflag:s30], $0x2800  }
0x39: {  	[sflag:s30] =	ssyncset.done $0x0  }
0x3a: {  	s31 =	simm.s32 $0x2;
	[sflag:s30] =	ssyncadd.s32 $0xFFFFD800  }
0x3b: {  	_ =	swait.ge [sflag:s31], $0x2800  }
0x3c: {  	[sflag:s31] =	ssyncset.done $0x0  }
0x3d: {  	[sflag:s31] =	ssyncadd.s32 $0xFFFFD800  }
0x3e: {  	_ =	swait.ge [sflag:s30], $0x2800  }
0x3f: {  	[sflag:s30] =	ssyncset.done $0x0  }
0x40: {  	[sflag:s30] =	ssyncadd.s32 $0xFFFFD800  }
0x41: {  	_ =	swait.ge [sflag:s31], $0x2800  }
0x42: {  	[sflag:s31] =	ssyncset.done $0x0  }
0x43: {  	[sflag:s31] =	ssyncadd.s32 $0xFFFFD800  }
0x44: {  	_ =	swait.ge [sflag:s30], $0x2800  }
0x45: {  	[sflag:s30] =	ssyncset.done $0x0  }
0x46: {  	[sflag:s30] =	ssyncadd.s32 $0xFFFFD800  }
0x47: {  	_ =	swait.ge [sflag:s31], $0x2800  }
0x48: {  	[sflag:s31] =	ssyncset.done $0x0  }
0x49: {  	[sflag:s31] =	ssyncadd.s32 $0xFFFFD800  }
0x4a: {  	_ =	swait.ge [sflag:s30], $0x2800  }
0x4b: {  	[sflag:s30] =	ssyncset.done $0x0  }
0x4c: {  	[sflag:s30] =	ssyncadd.s32 $0xFFFFD800  }
0x4d: {  	_ =	swait.ge [sflag:s31], $0x2800  }
0x4e: {  	s13 =	simm.s32 $0x0;
	s17 =	simm.s32 $0x0;
	[sflag:s31] =	ssyncset.done $0x0  }
0x4f: {  	s14 =	simm.s32 $0x147A0;
	s15 =	simm.s32 $0x504;
	[sflag:s31] =	ssyncadd.s32 $0xFFFFD800  }
.LBB2_5:
0x50: {  	v3 =	vld [tilespmem:s15+$0xFFFFFFFC];
	_ =	sdelay $0x4  }
0x51: {  	(v2sf) =	vpush v3, $0x0  }
0x52: {  	(v2sf) =	vpush v3, $0x1  }
0x53: {  	(v2sf) =	vpush v3, $0x2;
	_ =	sdelay $0x1  }
0x54: {  	(v2sf) =	vpush v3, $0x3;
	_ =	sdelay $0x1  }
0x55: {  	(v2sf) =	vpush v3, $0x4;
	_ =	sdelay $0x2  }
0x56: {  	(v2sf) =	vpush v3, $0x5;
	_ =	sdelay $0x1  }
0x57: {  	(v2sf) =	vpush v3, $0x6  }
0x58: {  	(v2sf) =	vpush v3, $0x7  }
0x59: {  	(v2sf) =	vpush v3, $0x8  }
0x5a: {  	(v2sf) =	vpush v3, $0x9  }
0x5b: {  	(v2sf) =	vpush v3, $0xA;
	s2 =	spop (v2sf)  }
0x5c: {  	(v2sf) =	vpush v3, $0xB;
	s7 =	spop (v2sf)  }
0x5d: {  	(v2sf) =	vpush v3, $0xC;
	s3 =	sand.u32 $0x7, s2;
	s2 =	sshll.u32 s2, $0x2;
	s8 =	spop (v2sf)  }
0x5e: {  	(v2sf) =	vpush v3, $0xD;
	s9 =	sand.u32 $0xFFFFFFE0, s2;
	s18 =	sshll.u32 s3, $0x2;
	s20 =	sand.u32 $0x7, s7  }
0x5f: {  	(v2sf) =	vpush v3, $0xE;
	s7 =	sshll.u32 s7, $0x2;
	s19 =	spop (v2sf);
	s9 =	sor.u32 s18, s9  }
0x60: {  	s7 =	sand.u32 $0xFFFFFFE0, s7;
	s20 =	sshll.u32 s20, $0x2;
	s28 =	sshll.u32 s8, $0x2  }
0x61: {  	(v2sf) =	vpush v3, $0xF;
	s8 =	sand.u32 $0x7, s8;
	s22 =	spop (v2sf);
	s18 =	sshra.s32 s9, $0x2  }
0x62: {  	s9 =	sshra.s32 s17, $0x2;
	s7 =	sor.u32 s20, s7;
	s20 =	sand.u32 $0xFFFFFFE0, s28  }
0x63: {  	s8 =	sshll.u32 s8, $0x2;
	s21 =	sand.u32 $0x7, s19;
	s19 =	sshll.u32 s19, $0x2  }
0x64: {  	s23 =	spop (v2sf);
	s18 =	sadd.s32 s9, s18;
	s7 =	sshra.s32 s7, $0x2  }
0x65: {  	s8 =	sor.u32 s8, s20;
	s29 =	sand.u32 $0xFFFFFFE0, s19;
	s21 =	sshll.u32 s21, $0x2  }
0x66: {  	s10 =	sshll.u32 s22, $0x2;
	s26 =	sand.u32 $0x7, s22;
	s25 =	spop (v2sf)  }
0x67: {  	s19 =	sadd.s32 s9, s7;
	s30 =	sshra.s32 s8, $0x2;
	s24 =	spop (v2sf)  }
0x68: {  	s31 =	sor.u32 s21, s29;
	s7 =	sshll.u32 s26, $0x2;
	s12 =	spop (v2sf)  }
0x69: {  	v3 =	vld [tilespmem:s15+$0x0];
	s28 =	sand.u32 $0x7, s23;
	s23 =	sshll.u32 s23, $0x2;
	s11 =	spop (v2sf)  }
0x6a: {  	s20 =	sadd.s32 s9, s30;
	s8 =	sshra.s32 s31, $0x2;
	s6 =	spop (v2sf)  }
0x6b: {  	s29 =	sand.u32 $0xFFFFFFE0, s23;
	s22 =	sshll.u32 s28, $0x2;
	s5 =	spop (v2sf)  }
0x6c: {  	s21 =	sadd.s32 s9, s8;
	s8 =	sand.u32 $0xFFFFFFE0, s10;
	s3 =	spop (v2sf)  }
0x6d: {  	s31 =	sand.u32 $0x7, s25;
	s7 =	sor.u32 s7, s8;
	s2 =	spop (v2sf)  }
0x6e: {  	s25 =	sshll.u32 s25, $0x2;
	s30 =	sshra.s32 s7, $0x2;
	s7 =	spop (v2sf);
	(v2sf) =	vpush v3, $0xC  }
0x6f: {  	v4 =	vld [tilespmem:s18+$0x780];
	s25 =	sand.u32 $0xFFFFFFE0, s25;
	s8 =	sor.u32 s22, s29  }
0x70: {  	v5 =	vld [tilespmem:s19+$0x800];
	s26 =	sshll.u32 s31, $0x2;
	s22 =	sshra.s32 s8, $0x2;
	s8 =	spop (v2sf);
	(v2sf) =	vpush v3, $0xD  }
0x71: {  	s10 =	sand.u32 $0x7, s24;
	s28 =	sshll.u32 s24, $0x2;
	s25 =	sor.u32 s26, s25  }
0x72: {  	v6 =	vld [tilespmem:s20+$0x880];
	s28 =	sand.u32 $0xFFFFFFE0, s28;
	s29 =	sand.u32 $0x7, s12;
	s12 =	sshll.u32 s12, $0x2  }
0x73: {  	s26 =	sshll.u32 s10, $0x2;
	s25 =	sshra.s32 s25, $0x2;
	s12 =	sand.u32 $0xFFFFFFE0, s12  }
0x74: {  	v7 =	vld [tilespmem:s21+$0x900];
	s23 =	sadd.s32 s9, s30;
	s22 =	sadd.s32 s9, s22;
	s24 =	sadd.s32 s9, s25  }
0x75: {  	s25 =	sor.u32 s26, s28;
	s26 =	sshll.u32 s29, $0x2;
	s30 =	sand.u32 $0x7, s11;
	v4 =	vadd.f32 v5, v4  }
0x76: {  	s11 =	sshll.u32 s11, $0x2;
	s10 =	sand.u32 $0x7, s6;
	s6 =	sshll.u32 s6, $0x2;
	v47 =	vld [tilespmem:s23+$0x980]  }
0x77: {  	s25 =	sshra.s32 s25, $0x2;
	s12 =	sor.u32 s26, s12;
	s11 =	sand.u32 $0xFFFFFFE0, s11;
	v4 =	vadd.f32 v6, v4  }
0x78: {  	s31 =	sshll.u32 s30, $0x2;
	v48 =	vld [tilespmem:s22+$0xA00];
	s6 =	sand.u32 $0xFFFFFFE0, s6;
	s29 =	sand.u32 $0x7, s5  }
0x79: {  	s5 =	sshll.u32 s5, $0x2;
	s12 =	sshra.s32 s12, $0x2;
	s26 =	sadd.s32 s9, s25;
	v4 =	vadd.f32 v7, v4  }
0x7a: {  	v49 =	vld [tilespmem:s24+$0xA80];
	s11 =	sor.u32 s31, s11;
	s25 =	sadd.s32 s9, s12;
	s12 =	sshll.u32 s10, $0x2  }
0x7b: {  	s30 =	sand.u32 $0x7, s3;
	s11 =	sshra.s32 s11, $0x2;
	s6 =	sor.u32 s12, s6;
	v4 =	vadd.f32 v47, v4  }
0x7c: {  	s3 =	sshll.u32 s3, $0x2;
	v50 =	vld [tilespmem:s26+$0xB00];
	s28 =	sadd.s32 s9, s11;
	s6 =	sshra.s32 s6, $0x2  }
0x7d: {  	s11 =	sshll.u32 s29, $0x2;
	s29 =	sadd.s32 s9, s6;
	v4 =	vadd.f32 v48, v4;
	s6 =	spop (v2sf);
	(v2sf) =	vpush v3, $0xE  }
0x7e: {  	s5 =	sand.u32 $0xFFFFFFE0, s5;
	s3 =	sand.u32 $0xFFFFFFE0, s3;
	s31 =	sand.u32 $0x7, s2;
	v51 =	vld [tilespmem:s25+$0xB80]  }
0x7f: {  	s2 =	sshll.u32 s2, $0x2;
	s5 =	sor.u32 s11, s5;
	v4 =	vadd.f32 v49, v4;
	s12 =	spop (v2sf);
	(v2sf) =	vpush v3, $0xF  }
0x80: {  	s11 =	sshll.u32 s30, $0x2;
	s30 =	sand.u32 $0xFFFFFFE0, s2;
	s5 =	sshra.s32 s5, $0x2;
	v3 =	vld [tilespmem:s28+$0xC00]  }
0x81: {  	s3 =	sor.u32 s11, s3;
	s11 =	sshll.u32 s31, $0x2;
	s31 =	sshll.u32 s7, $0x2;
	v4 =	vadd.f32 v50, v4  }
0x82: {  	s10 =	sshra.s32 s3, $0x2;
	v52 =	vld [tilespmem:s29+$0xC80];
	s3 =	sadd.s32 s9, s5;
	s11 =	sor.u32 s11, s30  }
0x83: {  	s30 =	sand.u32 $0x7, s7;
	s2 =	sadd.s32 s9, s10;
	s5 =	sshra.s32 s11, $0x2;
	v4 =	vadd.f32 v51, v4  }
0x84: {  	v53 =	vld [tilespmem:s3+$0xD00];
	s11 =	sand.u32 $0xFFFFFFE0, s31;
	s10 =	sshll.u32 s30, $0x2;
	s30 =	sand.u32 $0x7, s8  }
0x85: {  	s8 =	sshll.u32 s8, $0x2;
	s7 =	sadd.s32 s9, s5;
	s5 =	sor.u32 s10, s11;
	v3 =	vadd.f32 v3, v4  }
0x86: {  	v54 =	vld [tilespmem:s2+$0xD80];
	s31 =	sand.u32 $0xFFFFFFE0, s8;
	s10 =	sshll.u32 s30, $0x2;
	s5 =	sshra.s32 s5, $0x2  }
0x87: {  	s11 =	sor.u32 s10, s31;
	s8 =	sadd.s32 s9, s5;
	s30 =	sshll.u32 s6, $0x2;
	v3 =	vadd.f32 v52, v3  }
0x88: {  	v55 =	vld [tilespmem:s7+$0xE00];
	s5 =	sshra.s32 s11, $0x2;
	s6 =	sand.u32 $0x7, s6;
	s10 =	sand.u32 $0xFFFFFFE0, s30  }
0x89: {  	s6 =	sshll.u32 s6, $0x2;
	s31 =	sand.u32 $0x7, s12;
	s12 =	sshll.u32 s12, $0x2;
	v3 =	vadd.f32 v53, v3  }
0x8a: {  	v56 =	vld [tilespmem:s8+$0xE80];
	s6 =	sor.u32 s6, s10;
	s30 =	sand.u32 $0xFFFFFFE0, s12;
	s11 =	sshll.u32 s31, $0x2  }
0x8b: {  	s5 =	sadd.s32 s9, s5;
	s6 =	sshra.s32 s6, $0x2;
	s10 =	sor.u32 s11, s30;
	v3 =	vadd.f32 v54, v3  }
0x8c: {  	v57 =	vld [tilespmem:s5+$0xF00];
	s6 =	sadd.s32 s9, s6;
	s10 =	sshra.s32 s10, $0x2;
	s31 =	spop (v2sf)  }
0x8d: {  	s12 =	sadd.s32 s9, s10;
	v3 =	vadd.f32 v55, v3;
	s30 =	sand.u32 $0x7, s31;
	s11 =	sshll.u32 s31, $0x2  }
0x8e: {  	v58 =	vld [tilespmem:s6+$0xF80];
	s11 =	sand.u32 $0xFFFFFFE0, s11;
	s10 =	sshll.u32 s30, $0x2;
	s30 =	spop (v2sf)  }
0x8f: {  	v3 =	vadd.f32 v56, v3;
	s10 =	sor.u32 s10, s11;
	s31 =	sand.u32 $0x7, s30;
	s30 =	sshll.u32 s30, $0x2  }
0x90: {  	v59 =	vld [tilespmem:s12+$0x1000];
	s10 =	sshra.s32 s10, $0x2;
	s30 =	sand.u32 $0xFFFFFFE0, s30;
	s31 =	sshll.u32 s31, $0x2  }
0x91: {  	v3 =	vadd.f32 v57, v3;
	s11 =	sadd.s32 s9, s10;
	s31 =	sor.u32 s31, s30  }
0x92: {  	v60 =	vld [tilespmem:s11+$0x1080];
	s10 =	sshra.s32 s31, $0x2  }
0x93: {  	v3 =	vadd.f32 v58, v3;
	s9 =	sadd.s32 s9, s10  }
0x94: {  	v61 =	vld [tilespmem:s9+$0x1100]  }
0x95: {  	v3 =	vadd.f32 v59, v3;
	_ =	sdelay $0x1  }
0x96: {  	v3 =	vadd.f32 v60, v3;
	_ =	sdelay $0x1  }
0x97: {  	v3 =	vadd.f32 v61, v3;
	_ =	sdelay $0x1  }
0x98: {  	[tilespmem:s14+$0xFFFFFFE0] =	vst v3  }
0x99: {  	v3 =	vld [tilespmem:s18+$0x790]  }
0x9a: {  	v62 =	vld [tilespmem:s19+$0x810];
	_ =	sdelay $0x1  }
0x9b: {  	v63 =	vld [tilespmem:s20+$0x890];
	_ =	sdelay $0x1  }
0x9c: {  	v9 =	vld [tilespmem:s21+$0x910]  }
0x9d: {  	v3 =	vadd.f32 v62, v3  }
0x9e: {  	v10 =	vld [tilespmem:s23+$0x990]  }
0x9f: {  	v3 =	vadd.f32 v63, v3  }
0xa0: {  	v11 =	vld [tilespmem:s22+$0xA10]  }
0xa1: {  	v3 =	vadd.f32 v9, v3  }
0xa2: {  	v12 =	vld [tilespmem:s24+$0xA90]  }
0xa3: {  	v3 =	vadd.f32 v10, v3  }
0xa4: {  	v13 =	vld [tilespmem:s26+$0xB10]  }
0xa5: {  	v3 =	vadd.f32 v11, v3  }
0xa6: {  	v14 =	vld [tilespmem:s25+$0xB90]  }
0xa7: {  	v3 =	vadd.f32 v12, v3  }
0xa8: {  	v15 =	vld [tilespmem:s28+$0xC10]  }
0xa9: {  	v3 =	vadd.f32 v13, v3  }
0xaa: {  	v16 =	vld [tilespmem:s29+$0xC90]  }
0xab: {  	v3 =	vadd.f32 v14, v3  }
0xac: {  	v17 =	vld [tilespmem:s3+$0xD10]  }
0xad: {  	v3 =	vadd.f32 v15, v3  }
0xae: {  	v18 =	vld [tilespmem:s2+$0xD90]  }
0xaf: {  	v3 =	vadd.f32 v16, v3  }
0xb0: {  	v19 =	vld [tilespmem:s7+$0xE10]  }
0xb1: {  	v3 =	vadd.f32 v17, v3  }
0xb2: {  	v20 =	vld [tilespmem:s8+$0xE90]  }
0xb3: {  	v3 =	vadd.f32 v18, v3  }
0xb4: {  	v21 =	vld [tilespmem:s5+$0xF10]  }
0xb5: {  	v3 =	vadd.f32 v19, v3  }
0xb6: {  	v22 =	vld [tilespmem:s6+$0xF90]  }
0xb7: {  	v3 =	vadd.f32 v20, v3  }
0xb8: {  	v23 =	vld [tilespmem:s12+$0x1010]  }
0xb9: {  	v3 =	vadd.f32 v21, v3  }
0xba: {  	v24 =	vld [tilespmem:s11+$0x1090]  }
0xbb: {  	v3 =	vadd.f32 v22, v3  }
0xbc: {  	v25 =	vld [tilespmem:s9+$0x1110]  }
0xbd: {  	v3 =	vadd.f32 v23, v3;
	_ =	sdelay $0x1  }
0xbe: {  	v3 =	vadd.f32 v24, v3;
	_ =	sdelay $0x1  }
0xbf: {  	v3 =	vadd.f32 v25, v3;
	_ =	sdelay $0x1  }
0xc0: {  	[tilespmem:s14+$0xFFFFFFF0] =	vst v3  }
0xc1: {  	v3 =	vld [tilespmem:s18+$0x7A0]  }
0xc2: {  	v26 =	vld [tilespmem:s19+$0x820];
	_ =	sdelay $0x1  }
0xc3: {  	v27 =	vld [tilespmem:s20+$0x8A0];
	_ =	sdelay $0x1  }
0xc4: {  	v28 =	vld [tilespmem:s21+$0x920]  }
0xc5: {  	v3 =	vadd.f32 v26, v3  }
0xc6: {  	v29 =	vld [tilespmem:s23+$0x9A0]  }
0xc7: {  	v3 =	vadd.f32 v27, v3  }
0xc8: {  	v30 =	vld [tilespmem:s22+$0xA20]  }
0xc9: {  	v3 =	vadd.f32 v28, v3  }
0xca: {  	v31 =	vld [tilespmem:s24+$0xAA0]  }
0xcb: {  	v3 =	vadd.f32 v29, v3  }
0xcc: {  	v32 =	vld [tilespmem:s26+$0xB20]  }
0xcd: {  	v3 =	vadd.f32 v30, v3  }
0xce: {  	v33 =	vld [tilespmem:s25+$0xBA0]  }
0xcf: {  	v3 =	vadd.f32 v31, v3  }
0xd0: {  	v34 =	vld [tilespmem:s28+$0xC20]  }
0xd1: {  	v3 =	vadd.f32 v32, v3  }
0xd2: {  	v35 =	vld [tilespmem:s29+$0xCA0]  }
0xd3: {  	v3 =	vadd.f32 v33, v3  }
0xd4: {  	v36 =	vld [tilespmem:s3+$0xD20]  }
0xd5: {  	v3 =	vadd.f32 v34, v3  }
0xd6: {  	v37 =	vld [tilespmem:s2+$0xDA0]  }
0xd7: {  	v3 =	vadd.f32 v35, v3  }
0xd8: {  	v38 =	vld [tilespmem:s7+$0xE20]  }
0xd9: {  	v3 =	vadd.f32 v36, v3  }
0xda: {  	v39 =	vld [tilespmem:s8+$0xEA0]  }
0xdb: {  	v3 =	vadd.f32 v37, v3  }
0xdc: {  	v40 =	vld [tilespmem:s5+$0xF20]  }
0xdd: {  	v3 =	vadd.f32 v38, v3  }
0xde: {  	v41 =	vld [tilespmem:s6+$0xFA0]  }
0xdf: {  	v3 =	vadd.f32 v39, v3  }
0xe0: {  	v42 =	vld [tilespmem:s12+$0x1020]  }
0xe1: {  	v3 =	vadd.f32 v40, v3  }
0xe2: {  	v43 =	vld [tilespmem:s11+$0x10A0]  }
0xe3: {  	v3 =	vadd.f32 v41, v3  }
0xe4: {  	v44 =	vld [tilespmem:s9+$0x1120]  }
0xe5: {  	v3 =	vadd.f32 v42, v3;
	_ =	sdelay $0x1  }
0xe6: {  	v3 =	vadd.f32 v43, v3;
	_ =	sdelay $0x1  }
0xe7: {  	v3 =	vadd.f32 v44, v3;
	_ =	sdelay $0x1  }
0xe8: {  	[tilespmem:s14+$0x0] =	vst v3  }
0xe9: {  	v3 =	vld [tilespmem:s18+$0x7B0]  }
0xea: {  	v45 =	vld [tilespmem:s19+$0x830];
	_ =	sdelay $0x1  }
0xeb: {  	v46 =	vld [tilespmem:s20+$0x8B0];
	_ =	sdelay $0x1  }
0xec: {  	v47 =	vld [tilespmem:s21+$0x930]  }
0xed: {  	v3 =	vadd.f32 v45, v3  }
0xee: {  	v48 =	vld [tilespmem:s23+$0x9B0]  }
0xef: {  	v3 =	vadd.f32 v46, v3  }
0xf0: {  	v49 =	vld [tilespmem:s22+$0xA30]  }
0xf1: {  	v3 =	vadd.f32 v47, v3  }
0xf2: {  	v50 =	vld [tilespmem:s24+$0xAB0]  }
0xf3: {  	v3 =	vadd.f32 v48, v3  }
0xf4: {  	v51 =	vld [tilespmem:s26+$0xB30]  }
0xf5: {  	v3 =	vadd.f32 v49, v3  }
0xf6: {  	v52 =	vld [tilespmem:s25+$0xBB0]  }
0xf7: {  	v3 =	vadd.f32 v50, v3  }
0xf8: {  	v53 =	vld [tilespmem:s28+$0xC30]  }
0xf9: {  	v3 =	vadd.f32 v51, v3  }
0xfa: {  	v54 =	vld [tilespmem:s29+$0xCB0]  }
0xfb: {  	v3 =	vadd.f32 v52, v3  }
0xfc: {  	v55 =	vld [tilespmem:s3+$0xD30]  }
0xfd: {  	v3 =	vadd.f32 v53, v3  }
0xfe: {  	v56 =	vld [tilespmem:s2+$0xDB0]  }
0xff: {  	v3 =	vadd.f32 v54, v3  }
0x100: {  	v57 =	vld [tilespmem:s7+$0xE30]  }
0x101: {  	v3 =	vadd.f32 v55, v3  }
0x102: {  	v58 =	vld [tilespmem:s8+$0xEB0]  }
0x103: {  	v3 =	vadd.f32 v56, v3  }
0x104: {  	v59 =	vld [tilespmem:s5+$0xF30]  }
0x105: {  	v3 =	vadd.f32 v57, v3  }
0x106: {  	v60 =	vld [tilespmem:s6+$0xFB0]  }
0x107: {  	v3 =	vadd.f32 v58, v3  }
0x108: {  	v61 =	vld [tilespmem:s12+$0x1030]  }
0x109: {  	v3 =	vadd.f32 v59, v3  }
0x10a: {  	v62 =	vld [tilespmem:s11+$0x10B0]  }
0x10b: {  	v3 =	vadd.f32 v60, v3  }
0x10c: {  	v63 =	vld [tilespmem:s9+$0x1130]  }
0x10d: {  	v3 =	vadd.f32 v61, v3  }
0x10e: {  	p0 =	sne.s32 s17, $0x25800  }
.Ltmp1:
0x10f: {  	v3 =	vadd.f32 v62, v3;
	(pc) =	sbr.rel @p0 .LBB2_5-.Ltmp1, $3  }
0x110: {  	_ = 	snop  }
0x111: {  	v3 =	vadd.f32 v63, v3;
	_ =	sdelay $0x1  }
0x112: {  	s15 =	sadd.s32 $0x14, s15;
	s17 =	sadd.s32 $0x2800, s17;
	[tilespmem:s14+$0x10] =	vst v3;
	s14 =	sadd.s32 $0x40, s14  }
0x113: {  	s14 =	simm.s32 $0x14B80;
	s5 =	simm.s32 $0x3  }
.LBB2_7:
0x114: {  	v4 =	vor.u32 s13, v0  }
0x115: {  	v3 =	vand.u32 v2, v4;
	v5 =	vmulhi.u32 $0xCCCCCCCD, v4;
	_ =	sdelay $0x1  }
0x116: {  	v5 =	vshrl.u32 v5, $0x4  }
0x117: {  	v6 =	vmul.u32 $0xFFFFFFEC, v5  }
0x118: {  	v7 =	vmov s13;
	v8 =	vsub.s32 $0x0, v4  }
0x119: {  	vm0 =	veq.s32 v7, v0;
	v3 =	vld.idx.msk [tilespmem:v3+s0+$0x0], $0xffff;
	vm1 =	vne.s32 v6, v8  }
0x11a: {  	vm0 =	vmand vm0, vm1  }
0x11b: {  	v20 =	vsel vm0, $0xFFFFFFFF, v1  }
0x11c: {  	v6 =	vadd.s32 v20, v5  }
0x11d: {  	v5 =	vshll.u32 v4, $0x7;
	v4 =	vshll.u32 v6, $0x6  }
0x11e: {  	v21 =	vand.u32 $0xFFFFFFF8, v3;
	v22 =	vand.u32 $0x7, v3;
	v25 =	vadd.s32 $0x1, v3  }
0x11f: {  	v9 =	vor.u32 $0x1, v4;
	v11 =	vadd.s32 $0x2, v3;
	v26 =	vor.u32 $0x2, v4  }
0x120: {  	v13 =	vadd.s32 $0x3, v3;
	v27 =	vor.u32 $0x3, v4;
	v15 =	vadd.s32 $0x4, v3  }
0x121: {  	v28 =	vor.u32 $0x4, v4;
	v17 =	vadd.s32 $0x5, v3;
	v29 =	vor.u32 $0x5, v4  }
0x122: {  	v19 =	vadd.s32 $0x6, v3;
	v30 =	vor.u32 $0x6, v4;
	v34 =	vor.u32 $0x7, v4  }
0x123: {  	v39 =	vor.u32 $0x8, v4;
	v50 =	vadd.s32 $0x9, v3;
	v51 =	vor.u32 $0x9, v4  }
0x124: {  	v53 =	vadd.s32 $0xA, v3;
	v54 =	vor.u32 $0xA, v4;
	v56 =	vadd.s32 $0xB, v3  }
0x125: {  	v57 =	vor.u32 $0xB, v4;
	v59 =	vadd.s32 $0xC, v3;
	v60 =	vor.u32 $0xC, v4  }
0x126: {  	v62 =	vadd.s32 $0xD, v3;
	v63 =	vor.u32 $0xD, v4;
	v10 =	vand.u32 $0xFFFFFFF8, v25;
	v23 =	vld.idx.msk [tilespmem:v4+s4+$0x0], $0xffff  }
0x127: {  	v8 =	vand.u32 $0x7, v25;
	v12 =	vand.u32 $0xFFFFFFF8, v11;
	v10 =	vadd.s32 v5, v10;
	v9 =	vld.idx.msk [tilespmem:v9+s4+$0x0], $0xffff  }
0x128: {  	v11 =	vand.u32 $0x7, v11;
	v12 =	vadd.s32 v5, v12;
	v8 =	vor.u32 v8, v10;
	v10 =	vld.idx.msk [tilespmem:v26+s4+$0x0], $0xffff  }
0x129: {  	v7 =	vadd.s32 v5, v21;
	v14 =	vand.u32 $0xFFFFFFF8, v13;
	v11 =	vor.u32 v11, v12;
	v12 =	vld.idx.msk [tilespmem:v27+s4+$0x0], $0xffff  }
0x12a: {  	v13 =	vand.u32 $0x7, v13;
	v16 =	vand.u32 $0xFFFFFFF8, v15;
	v15 =	vand.u32 $0x7, v15;
	v31 =	vld.idx.msk [tilespmem:v28+s4+$0x0], $0xffff  }
0x12b: {  	v18 =	vand.u32 $0xFFFFFFF8, v17;
	v17 =	vand.u32 $0x7, v17;
	v6 =	vor.u32 v22, v7;
	v36 =	vld.idx.msk [tilespmem:v29+s4+$0x0], $0xffff  }
0x12c: {  	v20 =	vand.u32 $0xFFFFFFF8, v19;
	v19 =	vand.u32 $0x7, v19;
	v21 =	vadd.s32 $0x7, v3;
	v41 =	vld.idx.msk [tilespmem:v30+s4+$0x0], $0xffff  }
0x12d: {  	v52 =	vand.u32 $0xFFFFFFF8, v50;
	v55 =	vand.u32 $0xFFFFFFF8, v53;
	v14 =	vadd.s32 v5, v14;
	v44 =	vld.idx.msk [tilespmem:v34+s4+$0x0], $0xffff  }
0x12e: {  	v58 =	vand.u32 $0xFFFFFFF8, v56;
	v16 =	vadd.s32 v5, v16;
	v13 =	vor.u32 v13, v14;
	v29 =	vld.idx.msk [tilespmem:v60+s4+$0x0], $0xffff  }
0x12f: {  	v61 =	vand.u32 $0xFFFFFFF8, v59;
	v18 =	vadd.s32 v5, v18;
	v15 =	vor.u32 v15, v16;
	v34 =	vld.idx.msk [tilespmem:v63+s4+$0x0], $0xffff  }
0x130: {  	v25 =	vadd.s32 $0xE, v3;
	v20 =	vadd.s32 v5, v20;
	v17 =	vor.u32 v17, v18;
	v24 =	vld.idx.msk [tilespmem:v6+s16+$0x0], $0xffff  }
0x131: {  	v33 =	vand.u32 $0xFFFFFFF8, v21;
	v21 =	vand.u32 $0x7, v21;
	v32 =	vor.u32 v19, v20;
	v8 =	vld.idx.msk [tilespmem:v8+s16+$0x0], $0xffff  }
0x132: {  	v19 =	vadd.s32 v5, v33;
	v42 =	vadd.s32 $0x8, v6;
	v16 =	vadd.s32 v5, v61;
	v11 =	vld.idx.msk [tilespmem:v11+s16+$0x0], $0xffff  }
0x133: {  	v61 =	vor.u32 $0x15, v4;
	v37 =	vor.u32 v21, v19;
	v26 =	vor.u32 $0xE, v4;
	v13 =	vld.idx.msk [tilespmem:v13+s16+$0x0], $0xffff  }
0x134: {  	v19 =	vand.u32 $0x7, v25;
	v27 =	vand.u32 $0xFFFFFFF8, v25;
	v28 =	vadd.s32 $0xF, v3;
	v15 =	vld.idx.msk [tilespmem:v15+s16+$0x0], $0xffff  }
0x135: {  	v60 =	vadd.s32 $0x15, v3;
	v63 =	vadd.s32 $0x16, v3;
	v20 =	vadd.s32 v5, v27;
	v38 =	vld.idx.msk [tilespmem:v17+s16+$0x0], $0xffff  }
0x136: {  	v21 =	vand.u32 $0x7, v28;
	v25 =	vand.u32 $0xFFFFFFF8, v63;
	v30 =	vor.u32 v19, v20;
	v14 =	vld.idx.msk [tilespmem:v32+s16+$0x0], $0xffff  }
0x137: {  	v46 =	vld.idx.msk [tilespmem:v39+s4+$0x0], $0xffff;
	v20 =	vadd.s32 v5, v25;
	v17 =	vand.u32 $0x7, v62;
	v32 =	vor.u32 $0xF, v4  }
0x138: {  	v39 =	vld.idx.msk [tilespmem:v26+s4+$0x0], $0xffff;
	v26 =	vadd.s32 $0x17, v3;
	v7 =	vmul.f32 v24, v23;
	v8 =	vmul.f32 v8, v9  }
0x139: {  	v24 =	vand.u32 $0xFFFFFFF8, v62;
	v35 =	vmul.f32 v11, v10;
	v40 =	vmul.f32 v13, v12  }
0x13a: {  	v62 =	vand.u32 $0xFFFFFFF8, v60;
	v43 =	vmul.f32 v15, v31;
	v45 =	vmul.f32 v38, v36  }
0x13b: {  	v47 =	vmul.f32 v14, v41;
	v9 =	vand.u32 $0x7, v50;
	v10 =	vadd.s32 v5, v52  }
0x13c: {  	v11 =	vld.idx.msk [tilespmem:v37+s16+$0x0], $0xffff;
	v12 =	vadd.s32 v5, v55;
	v14 =	vadd.s32 v5, v58;
	v15 =	vand.u32 $0x7, v59  }
0x13d: {  	v13 =	vld.idx.msk [tilespmem:v42+s16+$0x0], $0xffff;
	v18 =	vadd.s32 v5, v24;
	v31 =	vand.u32 $0xFFFFFFF8, v28;
	v37 =	vor.u32 $0x10, v4  }
0x13e: {  	v42 =	vld.idx.msk [tilespmem:v32+s4+$0x0], $0xffff;
	v52 =	vor.u32 $0x12, v4;
	v55 =	vor.u32 $0x13, v4;
	v58 =	vor.u32 $0x14, v4  }
0x13f: {  	v24 =	vor.u32 $0x16, v4;
	v32 =	vld.idx.msk [tilespmem:v61+s4+$0x0], $0xffff;
	v61 =	vadd.s32 $0x1E, v3;
	v7 =	vadd.f32 $0.0e+00, v7  }
0x140: {  	v9 =	vor.u32 v9, v10;
	v10 =	vld.idx.msk [tilespmem:v54+s4+$0x0], $0xffff;
	v15 =	vor.u32 v15, v16;
	v17 =	vor.u32 v17, v18  }
0x141: {  	v19 =	vadd.s32 v5, v31;
	v54 =	vadd.s32 $0x13, v3;
	v7 =	vadd.f32 v8, v7;
	v8 =	vld.idx.msk [tilespmem:v51+s4+$0x0], $0xffff  }
0x142: {  	v18 =	vadd.s32 v5, v62;
	v62 =	vor.u32 $0x1E, v4;
	v48 =	vmul.f32 v11, v44;
	v44 =	vld.idx.msk [tilespmem:v37+s4+$0x0], $0xffff  }
0x143: {  	v51 =	vadd.s32 $0x12, v3;
	v7 =	vadd.f32 v35, v7;
	v49 =	vmul.f32 v13, v46;
	v27 =	vld.idx.msk [tilespmem:v58+s4+$0x0], $0xffff  }
0x144: {  	v11 =	vand.u32 $0x7, v53;
	v13 =	vand.u32 $0x7, v56;
	v35 =	vor.u32 v21, v19;
	v37 =	vld.idx.msk [tilespmem:v24+s4+$0x0], $0xffff  }
0x145: {  	v53 =	vand.u32 $0xFFFFFFF8, v51;
	v56 =	vand.u32 $0xFFFFFFF8, v54;
	v19 =	vand.u32 $0x7, v63;
	v9 =	vld.idx.msk [tilespmem:v9+s16+$0x0], $0xffff  }
0x146: {  	v21 =	vand.u32 $0x7, v26;
	v58 =	vadd.s32 $0x1D, v3;
	v11 =	vor.u32 v11, v12;
	v12 =	vld.idx.msk [tilespmem:v57+s4+$0x0], $0xffff  }
0x147: {  	v63 =	vand.u32 $0xFFFFFFF8, v61;
	v24 =	vadd.s32 $0x1F, v3;
	v13 =	vor.u32 v13, v14;
	v15 =	vld.idx.msk [tilespmem:v15+s16+$0x0], $0xffff  }
0x148: {  	v36 =	vld.idx.msk [tilespmem:v17+s16+$0x0], $0xffff;
	v57 =	vadd.s32 $0x14, v3;
	v17 =	vand.u32 $0x7, v60;
	v28 =	vor.u32 v19, v20  }
0x149: {  	v14 =	vld.idx.msk [tilespmem:v30+s16+$0x0], $0xffff;
	v30 =	vor.u32 $0x17, v4;
	v60 =	vand.u32 $0xFFFFFFF8, v58;
	v7 =	vadd.f32 v40, v7  }
0x14a: {  	v20 =	vadd.s32 v5, v63;
	v40 =	vadd.s32 $0x10, v6;
	v59 =	vand.u32 $0xFFFFFFF8, v57  }
0x14b: {  	v17 =	vor.u32 v17, v18;
	v18 =	vadd.s32 v5, v60;
	v7 =	vadd.f32 v43, v7  }
0x14c: {  	v60 =	vor.u32 $0x26, v4;
	v16 =	vadd.s32 v5, v59;
	v59 =	vor.u32 $0x1D, v4;
	v11 =	vld.idx.msk [tilespmem:v11+s16+$0x0], $0xffff  }
0x14d: {  	v7 =	vadd.f32 v45, v7;
	v13 =	vld.idx.msk [tilespmem:v13+s16+$0x0], $0xffff;
	v8 =	vmul.f32 v9, v8;
	v41 =	vmul.f32 v15, v29  }
0x14e: {  	v43 =	vmul.f32 v36, v34;
	v45 =	vmul.f32 v14, v39;
	v14 =	vadd.s32 v5, v56  }
0x14f: {  	v15 =	vand.u32 $0x7, v57;
	v29 =	vand.u32 $0xFFFFFFF8, v26;
	v56 =	vor.u32 $0x1C, v4  }
0x150: {  	v15 =	vor.u32 v15, v16;
	v34 =	vld.idx.msk [tilespmem:v17+s16+$0x0], $0xffff;
	v17 =	vand.u32 $0x7, v58;
	v7 =	vadd.f32 v47, v7  }
0x151: {  	v19 =	vadd.s32 v5, v29;
	v17 =	vor.u32 v17, v18;
	v33 =	vmul.f32 v11, v10;
	v11 =	vld.idx.msk [tilespmem:v35+s16+$0x0], $0xffff  }
0x152: {  	v7 =	vadd.f32 v48, v7;
	v48 =	vadd.s32 $0x11, v3;
	v38 =	vmul.f32 v13, v12;
	v13 =	vld.idx.msk [tilespmem:v40+s16+$0x0], $0xffff  }
0x153: {  	v50 =	vand.u32 $0xFFFFFFF8, v48;
	v9 =	vand.u32 $0x7, v48;
	v12 =	vadd.s32 v5, v53;
	v40 =	vld.idx.msk [tilespmem:v30+s4+$0x0], $0xffff  }
0x154: {  	v35 =	vor.u32 $0x18, v4;
	v53 =	vor.u32 $0x1B, v4;
	v25 =	vld.idx.msk [tilespmem:v56+s4+$0x0], $0xffff;
	v7 =	vadd.f32 v49, v7  }
0x155: {  	v30 =	vld.idx.msk [tilespmem:v59+s4+$0x0], $0xffff;
	v56 =	vadd.s32 $0x25, v3;
	v59 =	vadd.s32 $0x26, v3;
	v49 =	vor.u32 $0x11, v4  }
0x156: {  	v10 =	vadd.s32 v5, v50;
	v50 =	vor.u32 $0x1A, v4;
	v7 =	vadd.f32 v8, v7  }
0x157: {  	v58 =	vand.u32 $0xFFFFFFF8, v56;
	v9 =	vor.u32 v9, v10;
	v10 =	vld.idx.msk [tilespmem:v52+s4+$0x0], $0xffff;
	v52 =	vadd.s32 $0x1B, v3  }
0x158: {  	v18 =	vadd.s32 v5, v58;
	v58 =	vor.u32 $0x2E, v4;
	v7 =	vadd.f32 v33, v7  }
0x159: {  	v15 =	vld.idx.msk [tilespmem:v15+s16+$0x0], $0xffff;
	v46 =	vmul.f32 v11, v42;
	v47 =	vmul.f32 v13, v44;
	v11 =	vand.u32 $0x7, v51  }
0x15a: {  	v13 =	vand.u32 $0x7, v54;
	v33 =	vor.u32 v21, v19;
	v54 =	vand.u32 $0xFFFFFFF8, v52  }
0x15b: {  	v42 =	vld.idx.msk [tilespmem:v35+s4+$0x0], $0xffff;
	v19 =	vand.u32 $0x7, v61;
	v21 =	vand.u32 $0x7, v24;
	v7 =	vadd.f32 v38, v7  }
0x15c: {  	v35 =	vld.idx.msk [tilespmem:v62+s4+$0x0], $0xffff;
	v61 =	vand.u32 $0xFFFFFFF8, v59;
	v62 =	vadd.s32 $0x27, v3;
	v11 =	vor.u32 v11, v12  }
0x15d: {  	v13 =	vor.u32 v13, v14;
	v12 =	vld.idx.msk [tilespmem:v55+s4+$0x0], $0xffff;
	v55 =	vadd.s32 $0x1C, v3;
	v7 =	vadd.f32 v41, v7  }
0x15e: {  	v8 =	vld.idx.msk [tilespmem:v49+s4+$0x0], $0xffff;
	v39 =	vmul.f32 v15, v27;
	v49 =	vadd.s32 $0x1A, v3;
	v57 =	vand.u32 $0xFFFFFFF8, v55  }
0x15f: {  	v14 =	vld.idx.msk [tilespmem:v28+s16+$0x0], $0xffff;
	v15 =	vand.u32 $0x7, v55;
	v16 =	vadd.s32 v5, v57;
	v7 =	vadd.f32 v43, v7  }
0x160: {  	v26 =	vor.u32 v19, v20;
	v27 =	vand.u32 $0xFFFFFFF8, v24;
	v9 =	vld.idx.msk [tilespmem:v9+s16+$0x0], $0xffff;
	v15 =	vor.u32 v15, v16  }
0x161: {  	v28 =	vor.u32 $0x1F, v4;
	v20 =	vadd.s32 v5, v61;
	v11 =	vld.idx.msk [tilespmem:v11+s16+$0x0], $0xffff;
	v7 =	vadd.f32 v45, v7  }
0x162: {  	v38 =	vadd.s32 $0x18, v6;
	v51 =	vand.u32 $0xFFFFFFF8, v49;
	v19 =	vadd.s32 v5, v27;
	v13 =	vld.idx.msk [tilespmem:v13+s16+$0x0], $0xffff  }
0x163: {  	v57 =	vor.u32 $0x25, v4;
	v41 =	vmul.f32 v34, v32;
	v7 =	vadd.f32 v46, v7  }
0x164: {  	v32 =	vld.idx.msk [tilespmem:v17+s16+$0x0], $0xffff;
	v43 =	vmul.f32 v14, v37;
	v14 =	vadd.s32 v5, v54;
	v54 =	vor.u32 $0x24, v4  }
0x165: {  	v17 =	vand.u32 $0x7, v56;
	v8 =	vmul.f32 v9, v8;
	v15 =	vld.idx.msk [tilespmem:v15+s16+$0x0], $0xffff;
	v7 =	vadd.f32 v47, v7  }
0x166: {  	v17 =	vor.u32 v17, v18;
	v46 =	vadd.s32 $0x19, v3;
	v31 =	vmul.f32 v11, v10;
	v11 =	vld.idx.msk [tilespmem:v33+s16+$0x0], $0xffff  }
0x167: {  	v36 =	vmul.f32 v13, v12;
	v13 =	vld.idx.msk [tilespmem:v38+s16+$0x0], $0xffff;
	v48 =	vand.u32 $0xFFFFFFF8, v46;
	v7 =	vadd.f32 v8, v7  }
0x168: {  	v9 =	vand.u32 $0x7, v46;
	v12 =	vadd.s32 v5, v51;
	v33 =	vor.u32 $0x20, v4;
	v38 =	vld.idx.msk [tilespmem:v28+s4+$0x0], $0xffff  }
0x169: {  	v51 =	vor.u32 $0x23, v4;
	v63 =	vld.idx.msk [tilespmem:v54+s4+$0x0], $0xffff;
	v54 =	vadd.s32 $0x2D, v3;
	v7 =	vadd.f32 v31, v7  }
0x16a: {  	v28 =	vld.idx.msk [tilespmem:v57+s4+$0x0], $0xffff;
	v57 =	vadd.s32 $0x2E, v3;
	v47 =	vor.u32 $0x19, v4;
	v10 =	vadd.s32 v5, v48  }
0x16b: {  	v48 =	vor.u32 $0x22, v4;
	v9 =	vor.u32 v9, v10;
	v7 =	vadd.f32 v36, v7  }
0x16c: {  	v56 =	vand.u32 $0xFFFFFFF8, v54;
	v10 =	vld.idx.msk [tilespmem:v50+s4+$0x0], $0xffff;
	v44 =	vmul.f32 v11, v40;
	v11 =	vand.u32 $0x7, v49  }
0x16d: {  	v50 =	vadd.s32 $0x23, v3;
	v40 =	vld.idx.msk [tilespmem:v33+s4+$0x0], $0xffff;
	v11 =	vor.u32 v11, v12;
	v7 =	vadd.f32 v39, v7  }
0x16e: {  	v18 =	vadd.s32 v5, v56;
	v45 =	vmul.f32 v13, v42;
	v13 =	vand.u32 $0x7, v52;
	v33 =	vld.idx.msk [tilespmem:v60+s4+$0x0], $0xffff  }
0x16f: {  	v37 =	vmul.f32 v15, v25;
	v8 =	vld.idx.msk [tilespmem:v47+s4+$0x0], $0xffff;
	v13 =	vor.u32 v13, v14;
	v7 =	vadd.f32 v41, v7  }
0x170: {  	v25 =	vand.u32 $0xFFFFFFF8, v62;
	v31 =	vor.u32 v21, v19;
	v52 =	vand.u32 $0xFFFFFFF8, v50;
	v9 =	vld.idx.msk [tilespmem:v9+s16+$0x0], $0xffff  }
0x171: {  	v19 =	vand.u32 $0x7, v59;
	v21 =	vand.u32 $0x7, v62;
	v14 =	vld.idx.msk [tilespmem:v26+s16+$0x0], $0xffff;
	v7 =	vadd.f32 v43, v7  }
0x172: {  	v59 =	vand.u32 $0xFFFFFFF8, v57;
	v60 =	vadd.s32 $0x2F, v3;
	v47 =	vadd.s32 $0x22, v3;
	v11 =	vld.idx.msk [tilespmem:v11+s16+$0x0], $0xffff  }
0x173: {  	v12 =	vld.idx.msk [tilespmem:v53+s4+$0x0], $0xffff;
	v53 =	vadd.s32 $0x24, v3;
	v24 =	vor.u32 v19, v20;
	v7 =	vadd.f32 v44, v7  }
0x174: {  	v36 =	vadd.s32 $0x20, v6;
	v55 =	vand.u32 $0xFFFFFFF8, v53;
	v15 =	vand.u32 $0x7, v53;
	v13 =	vld.idx.msk [tilespmem:v13+s16+$0x0], $0xffff  }
0x175: {  	v16 =	vadd.s32 v5, v55;
	v8 =	vmul.f32 v9, v8;
	v7 =	vadd.f32 v45, v7  }
0x176: {  	v26 =	vor.u32 $0x27, v4;
	v49 =	vand.u32 $0xFFFFFFF8, v47;
	v15 =	vor.u32 v15, v16  }
0x177: {  	v41 =	vmul.f32 v14, v35;
	v29 =	vmul.f32 v11, v10;
	v11 =	vld.idx.msk [tilespmem:v31+s16+$0x0], $0xffff;
	v7 =	vadd.f32 v8, v7  }
0x178: {  	v14 =	vadd.s32 v5, v52;
	v52 =	vor.u32 $0x2C, v4;
	v44 =	vadd.s32 $0x21, v3  }
0x179: {  	v34 =	vmul.f32 v13, v12;
	v13 =	vld.idx.msk [tilespmem:v36+s16+$0x0], $0xffff;
	v46 =	vand.u32 $0xFFFFFFF8, v44;
	v7 =	vadd.f32 v29, v7  }
0x17a: {  	v9 =	vand.u32 $0x7, v44;
	v45 =	vor.u32 $0x21, v4;
	v10 =	vadd.s32 v5, v46  }
0x17b: {  	v39 =	vmul.f32 v32, v30;
	v9 =	vor.u32 v9, v10;
	v7 =	vadd.f32 v34, v7  }
0x17c: {  	v30 =	vld.idx.msk [tilespmem:v17+s16+$0x0], $0xffff;
	v12 =	vadd.s32 v5, v49;
	v42 =	vmul.f32 v11, v38;
	v11 =	vand.u32 $0x7, v47  }
0x17d: {  	v19 =	vadd.s32 v5, v25;
	v15 =	vld.idx.msk [tilespmem:v15+s16+$0x0], $0xffff;
	v11 =	vor.u32 v11, v12;
	v7 =	vadd.f32 v37, v7  }
0x17e: {  	v20 =	vadd.s32 v5, v59;
	v61 =	vld.idx.msk [tilespmem:v52+s4+$0x0], $0xffff;
	v43 =	vmul.f32 v13, v40;
	v13 =	vand.u32 $0x7, v50  }
0x17f: {  	v17 =	vand.u32 $0x7, v54;
	v8 =	vld.idx.msk [tilespmem:v45+s4+$0x0], $0xffff;
	v13 =	vor.u32 v13, v14;
	v7 =	vadd.f32 v39, v7  }
0x180: {  	v55 =	vor.u32 $0x2D, v4;
	v17 =	vor.u32 v17, v18;
	v31 =	vor.u32 $0x28, v4;
	v9 =	vld.idx.msk [tilespmem:v9+s16+$0x0], $0xffff  }
0x181: {  	v49 =	vor.u32 $0x2B, v4;
	v52 =	vadd.s32 $0x35, v3;
	v10 =	vld.idx.msk [tilespmem:v48+s4+$0x0], $0xffff;
	v7 =	vadd.f32 v41, v7  }
0x182: {  	v46 =	vor.u32 $0x2A, v4;
	v54 =	vand.u32 $0xFFFFFFF8, v52;
	v29 =	vor.u32 v21, v19;
	v11 =	vld.idx.msk [tilespmem:v11+s16+$0x0], $0xffff  }
0x183: {  	v48 =	vadd.s32 $0x2B, v3;
	v35 =	vmul.f32 v15, v63;
	v12 =	vld.idx.msk [tilespmem:v51+s4+$0x0], $0xffff;
	v7 =	vadd.f32 v42, v7  }
0x184: {  	v63 =	vand.u32 $0xFFFFFFF8, v60;
	v50 =	vand.u32 $0xFFFFFFF8, v48;
	v34 =	vadd.s32 $0x28, v6;
	v13 =	vld.idx.msk [tilespmem:v13+s16+$0x0], $0xffff  }
0x185: {  	v36 =	vld.idx.msk [tilespmem:v26+s4+$0x0], $0xffff;
	v51 =	vadd.s32 $0x2C, v3;
	v8 =	vmul.f32 v9, v8;
	v7 =	vadd.f32 v43, v7  }
0x186: {  	v38 =	vld.idx.msk [tilespmem:v31+s4+$0x0], $0xffff;
	v45 =	vadd.s32 $0x2A, v3;
	v53 =	vand.u32 $0xFFFFFFF8, v51;
	v15 =	vand.u32 $0x7, v51  }
0x187: {  	v16 =	vadd.s32 v5, v53;
	v27 =	vmul.f32 v11, v10;
	v11 =	vld.idx.msk [tilespmem:v29+s16+$0x0], $0xffff;
	v7 =	vadd.f32 v8, v7  }
0x188: {  	v14 =	vld.idx.msk [tilespmem:v24+s16+$0x0], $0xffff;
	v47 =	vand.u32 $0xFFFFFFF8, v45;
	v15 =	vor.u32 v15, v16;
	v42 =	vadd.s32 $0x29, v3  }
0x189: {  	v32 =	vmul.f32 v13, v12;
	v13 =	vld.idx.msk [tilespmem:v34+s16+$0x0], $0xffff;
	v44 =	vand.u32 $0xFFFFFFF8, v42;
	v7 =	vadd.f32 v27, v7  }
0x18a: {  	v9 =	vand.u32 $0x7, v42;
	v43 =	vor.u32 $0x29, v4;
	v10 =	vadd.s32 v5, v44  }
0x18b: {  	v26 =	vld.idx.msk [tilespmem:v55+s4+$0x0], $0xffff;
	v37 =	vmul.f32 v30, v28;
	v9 =	vor.u32 v9, v10;
	v7 =	vadd.f32 v32, v7  }
0x18c: {  	v31 =	vld.idx.msk [tilespmem:v58+s4+$0x0], $0xffff;
	v12 =	vadd.s32 v5, v47;
	v40 =	vmul.f32 v11, v36;
	v11 =	vand.u32 $0x7, v45  }
0x18d: {  	v28 =	vld.idx.msk [tilespmem:v17+s16+$0x0], $0xffff;
	v39 =	vmul.f32 v14, v33;
	v11 =	vor.u32 v11, v12;
	v7 =	vadd.f32 v35, v7  }
0x18e: {  	v14 =	vadd.s32 v5, v50;
	v15 =	vld.idx.msk [tilespmem:v15+s16+$0x0], $0xffff;
	v41 =	vmul.f32 v13, v38;
	v13 =	vand.u32 $0x7, v48  }
0x18f: {  	v19 =	vand.u32 $0x7, v57;
	v8 =	vld.idx.msk [tilespmem:v43+s4+$0x0], $0xffff;
	v13 =	vor.u32 v13, v14;
	v7 =	vadd.f32 v37, v7  }
0x190: {  	v21 =	vand.u32 $0x7, v60;
	v62 =	vor.u32 v19, v20;
	v24 =	vor.u32 $0x2F, v4;
	v9 =	vld.idx.msk [tilespmem:v9+s16+$0x0], $0xffff  }
0x191: {  	v19 =	vadd.s32 v5, v63;
	v29 =	vor.u32 $0x30, v4;
	v10 =	vld.idx.msk [tilespmem:v46+s4+$0x0], $0xffff;
	v7 =	vadd.f32 v39, v7  }
0x192: {  	v55 =	vadd.s32 $0x36, v3;
	v18 =	vadd.s32 v5, v54;
	v27 =	vor.u32 v21, v19;
	v11 =	vld.idx.msk [tilespmem:v11+s16+$0x0], $0xffff  }
0x193: {  	v53 =	vor.u32 $0x35, v4;
	v17 =	vand.u32 $0x7, v52;
	v12 =	vld.idx.msk [tilespmem:v49+s4+$0x0], $0xffff;
	v7 =	vadd.f32 v40, v7  }
0x194: {  	v50 =	vor.u32 $0x34, v4;
	v47 =	vor.u32 $0x33, v4;
	v32 =	vadd.s32 $0x30, v6;
	v13 =	vld.idx.msk [tilespmem:v13+s16+$0x0], $0xffff  }
0x195: {  	v34 =	vld.idx.msk [tilespmem:v24+s4+$0x0], $0xffff;
	v46 =	vadd.s32 $0x33, v3;
	v8 =	vmul.f32 v9, v8;
	v7 =	vadd.f32 v41, v7  }
0x196: {  	v44 =	vor.u32 $0x32, v4;
	v33 =	vmul.f32 v15, v61;
	v36 =	vld.idx.msk [tilespmem:v29+s4+$0x0], $0xffff;
	v48 =	vand.u32 $0xFFFFFFF8, v46  }
0x197: {  	v43 =	vadd.s32 $0x32, v3;
	v25 =	vmul.f32 v11, v10;
	v11 =	vld.idx.msk [tilespmem:v27+s16+$0x0], $0xffff;
	v7 =	vadd.f32 v8, v7  }
0x198: {  	v14 =	vld.idx.msk [tilespmem:v62+s16+$0x0], $0xffff;
	v49 =	vadd.s32 $0x34, v3;
	v45 =	vand.u32 $0xFFFFFFF8, v43;
	v40 =	vadd.s32 $0x31, v3  }
0x199: {  	v30 =	vmul.f32 v13, v12;
	v13 =	vld.idx.msk [tilespmem:v32+s16+$0x0], $0xffff;
	v42 =	vand.u32 $0xFFFFFFF8, v40;
	v7 =	vadd.f32 v25, v7  }
0x19a: {  	v9 =	vand.u32 $0x7, v40;
	v41 =	vor.u32 $0x31, v4;
	v10 =	vadd.s32 v5, v42  }
0x19b: {  	v35 =	vmul.f32 v28, v26;
	v9 =	vor.u32 v9, v10;
	v7 =	vadd.f32 v30, v7  }
0x19c: {  	v12 =	vadd.s32 v5, v45;
	v38 =	vmul.f32 v11, v34;
	v11 =	vand.u32 $0x7, v43  }
0x19d: {  	v22 =	vld.idx.msk [tilespmem:v53+s4+$0x0], $0xffff;
	v37 =	vmul.f32 v14, v31;
	v11 =	vor.u32 v11, v12;
	v7 =	vadd.f32 v33, v7  }
0x19e: {  	v59 =	vld.idx.msk [tilespmem:v50+s4+$0x0], $0xffff;
	v14 =	vadd.s32 v5, v48;
	v39 =	vmul.f32 v13, v36;
	v13 =	vand.u32 $0x7, v46  }
0x19f: {  	v51 =	vand.u32 $0xFFFFFFF8, v49;
	v8 =	vld.idx.msk [tilespmem:v41+s4+$0x0], $0xffff;
	v13 =	vor.u32 v13, v14;
	v7 =	vadd.f32 v35, v7  }
0x1a0: {  	v17 =	vor.u32 v17, v18;
	v15 =	vand.u32 $0x7, v49;
	v16 =	vadd.s32 v5, v51;
	v9 =	vld.idx.msk [tilespmem:v9+s16+$0x0], $0xffff  }
0x1a1: {  	v57 =	vand.u32 $0xFFFFFFF8, v55;
	v15 =	vor.u32 v15, v16;
	v10 =	vld.idx.msk [tilespmem:v44+s4+$0x0], $0xffff;
	v7 =	vadd.f32 v37, v7  }
0x1a2: {  	v20 =	vadd.s32 v5, v57;
	v19 =	vand.u32 $0x7, v55;
	v11 =	vld.idx.msk [tilespmem:v11+s16+$0x0], $0xffff  }
0x1a3: {  	v58 =	vadd.s32 $0x37, v3;
	v60 =	vor.u32 v19, v20;
	v12 =	vld.idx.msk [tilespmem:v47+s4+$0x0], $0xffff;
	v7 =	vadd.f32 v38, v7  }
0x1a4: {  	v56 =	vor.u32 $0x36, v4;
	v61 =	vand.u32 $0xFFFFFFF8, v58;
	v13 =	vld.idx.msk [tilespmem:v13+s16+$0x0], $0xffff  }
0x1a5: {  	v24 =	vld.idx.msk [tilespmem:v17+s16+$0x0], $0xffff;
	v6 =	vadd.s32 $0x38, v6;
	v8 =	vmul.f32 v9, v8;
	v7 =	vadd.f32 v39, v7  }
0x1a6: {  	v21 =	vand.u32 $0x7, v58;
	v62 =	vor.u32 $0x37, v4;
	v19 =	vadd.s32 v5, v61;
	v15 =	vld.idx.msk [tilespmem:v15+s16+$0x0], $0xffff  }
0x1a7: {  	v23 =	vor.u32 v21, v19;
	v63 =	vmul.f32 v11, v10;
	v7 =	vadd.f32 v8, v7  }
0x1a8: {  	v28 =	vld.idx.msk [tilespmem:v60+s16+$0x0], $0xffff;
	v25 =	vor.u32 $0x38, v4  }
0x1a9: {  	v27 =	vld.idx.msk [tilespmem:v56+s4+$0x0], $0xffff;
	v26 =	vmul.f32 v13, v12;
	v7 =	vadd.f32 v63, v7  }
0x1aa: {  	v31 =	vmul.f32 v24, v22;
	v6 =	vld.idx.msk [tilespmem:v6+s16+$0x0], $0xffff;
	v45 =	vor.u32 $0x3C, v4  }
0x1ab: {  	v42 =	vor.u32 $0x3B, v4;
	v29 =	vmul.f32 v15, v59;
	v30 =	vld.idx.msk [tilespmem:v62+s4+$0x0], $0xffff;
	v7 =	vadd.f32 v26, v7  }
0x1ac: {  	v44 =	vadd.s32 $0x3C, v3;
	v36 =	vor.u32 $0x39, v4;
	v35 =	vadd.s32 $0x39, v3;
	v11 =	vld.idx.msk [tilespmem:v23+s16+$0x0], $0xffff  }
0x1ad: {  	v41 =	vadd.s32 $0x3B, v3;
	v32 =	vld.idx.msk [tilespmem:v25+s4+$0x0], $0xffff;
	v37 =	vand.u32 $0xFFFFFFF8, v35;
	v7 =	vadd.f32 v29, v7  }
0x1ae: {  	v33 =	vmul.f32 v28, v27;
	v9 =	vadd.s32 v5, v37;
	v8 =	vand.u32 $0x7, v35  }
0x1af: {  	v38 =	vadd.s32 $0x3A, v3;
	v8 =	vor.u32 v8, v9;
	v7 =	vadd.f32 v31, v7  }
0x1b0: {  	v40 =	vand.u32 $0xFFFFFFF8, v38;
	v10 =	vand.u32 $0x7, v38;
	v39 =	vor.u32 $0x3A, v4  }
0x1b1: {  	v34 =	vmul.f32 v11, v30;
	v11 =	vadd.s32 v5, v40;
	v7 =	vadd.f32 v33, v7  }
0x1b2: {  	v43 =	vand.u32 $0xFFFFFFF8, v41;
	v6 =	vmul.f32 v6, v32;
	v10 =	vor.u32 v10, v11  }
0x1b3: {  	v12 =	vand.u32 $0x7, v41;
	v13 =	vadd.s32 v5, v43;
	v7 =	vadd.f32 v34, v7  }
0x1b4: {  	v46 =	vand.u32 $0xFFFFFFF8, v44;
	v14 =	vand.u32 $0x7, v44;
	v12 =	vor.u32 v12, v13;
	v8 =	vld.idx.msk [tilespmem:v8+s16+$0x0], $0xffff  }
0x1b5: {  	v15 =	vadd.s32 v5, v46;
	v47 =	vadd.s32 $0x3D, v3;
	v6 =	vadd.f32 v6, v7;
	v7 =	vld.idx.msk [tilespmem:v36+s4+$0x0], $0xffff  }
0x1b6: {  	v50 =	vadd.s32 $0x3E, v3;
	v14 =	vor.u32 v14, v15;
	v49 =	vand.u32 $0xFFFFFFF8, v47;
	v9 =	vld.idx.msk [tilespmem:v39+s4+$0x0], $0xffff  }
0x1b7: {  	v48 =	vor.u32 $0x3D, v4;
	v16 =	vand.u32 $0x7, v47;
	v17 =	vadd.s32 v5, v49;
	v10 =	vld.idx.msk [tilespmem:v10+s16+$0x0], $0xffff  }
0x1b8: {  	v52 =	vand.u32 $0xFFFFFFF8, v50;
	v18 =	vand.u32 $0x7, v50;
	v16 =	vor.u32 v16, v17;
	v11 =	vld.idx.msk [tilespmem:v42+s4+$0x0], $0xffff  }
0x1b9: {  	v19 =	vadd.s32 v5, v52;
	v51 =	vor.u32 $0x3E, v4;
	v3 =	vadd.s32 $0x3F, v3;
	v12 =	vld.idx.msk [tilespmem:v12+s16+$0x0], $0xffff  }
0x1ba: {  	v54 =	vor.u32 v18, v19;
	v53 =	vld.idx.msk [tilespmem:v45+s4+$0x0], $0xffff;
	v55 =	vand.u32 $0xFFFFFFF8, v3;
	v7 =	vmul.f32 v8, v7  }
0x1bb: {  	v14 =	vld.idx.msk [tilespmem:v14+s16+$0x0], $0xffff;
	v3 =	vand.u32 $0x7, v3;
	v4 =	vor.u32 $0x3F, v4;
	v5 =	vadd.s32 v5, v55  }
0x1bc: {  	v57 =	vld.idx.msk [tilespmem:v48+s4+$0x0], $0xffff;
	v3 =	vor.u32 v3, v5;
	v56 =	vmul.f32 v10, v9;
	v6 =	vadd.f32 v7, v6  }
0x1bd: {  	v58 =	vld.idx.msk [tilespmem:v16+s16+$0x0], $0xffff  }
0x1be: {  	v60 =	vld.idx.msk [tilespmem:v51+s4+$0x0], $0xffff;
	v59 =	vmul.f32 v12, v11;
	v6 =	vadd.f32 v56, v6  }
0x1bf: {  	v61 =	vld.idx.msk [tilespmem:v54+s16+$0x0], $0xffff  }
0x1c0: {  	v62 =	vmul.f32 v14, v53;
	v4 =	vld.idx.msk [tilespmem:v4+s4+$0x0], $0xffff;
	v6 =	vadd.f32 v59, v6  }
0x1c1: {  	v3 =	vld.idx.msk [tilespmem:v3+s16+$0x0], $0xffff  }
0x1c2: {  	v5 =	vmul.f32 v58, v57;
	v6 =	vadd.f32 v62, v6;
	_ =	sdelay $0x1  }
0x1c3: {  	v63 =	vmul.f32 v61, v60;
	v5 =	vadd.f32 v5, v6  }
0x1c4: {  	p0 =	sne.s32 s13, $0x130  }
.Ltmp2:
0x1c5: {  	v3 =	vmul.f32 v3, v4;
	v5 =	vadd.f32 v63, v5;
	(pc) =	sbr.rel @p0 .LBB2_7-.Ltmp2, $3  }
0x1c6: {  	_ = 	snop  }
0x1c7: {  	v3 =	vadd.f32 v3, v5;
	_ =	sdelay $0x1  }
0x1c8: {  	s13 =	sadd.s32 $0x10, s13;
	[tilespmem:s14+$0x0] =	vst v3;
	s14 =	sadd.s32 $0x10, s14  }
0x1c9: {  	s2 =	rddreg [dreg:$0x6];
	s1 =	sadd.s32 $0x1, s1  }
0x1ca: {  	s3 =	rddreg [dreg:$0xa];
	s31 =	simm.s32 $0x0;
	p0 =	sne.s32 s1, $0x8  }
.Ltmp3:
0x1cb: {  	s6 =	simm.s32 $0x14B80;
	s2 =	sadd.s32 s2, s3;
	(pc) =	sbr.rel @p0 .LBB2_2-.Ltmp3, $4  }
0x1cc: {  	[hbm4b:s2+s31] =	stream.linear.scatter [tilespmem:s6], [sflag:$0x3], $0x140, $0x38;
	[tilespmem:$0x14CC0] =	vst v63  }
0x1cd: {  	_ =	swait.ge [sflag:s5], $0x140  }
0x1ce: {  	[sflag:s5] =	ssyncset.done $0x0  }
0x1cf: {  	[sflag:s5] =	ssyncadd.s32 $0xFFFFFEC0  }
0x1d0: {  	s2 =	rddreg [dreg:$0x9]  }
0x1d1: {  	s1 =	rddreg [dreg:$0x8];
	s2 =	sadd.s32 $0x1, s2  }
0x1d2: {  	p0 =	sne.s32 s2, s1  }
.Ltmp4:
0x1d3: {  	_ = 	snop;
	(pc) =	sbr.rel @p0 .LBB2_1-.Ltmp4, $1  }
0x1d4: {  	_ =	sdelay $0x3  }
0x1d5: {  	_ =	sfence.sel $0x180000  }
0x1d6: {  	[bflag:$0x0] =	sbarrier.arrive $0xFFFF  }
0x1d7: {  	_ =	strace $0x90000047  }
0x1d8: {  	s0 =	stileid.u32;
	[bflag:$0x2] =	sbarrier.arrive $0xFFFF  }
0x1d9: {  	p0 =	sne.s32 s0, $0x0;
	s0 =	rddreg [dreg:$0x1]  }
0x1da: {  	s0 =	sadd.s32 @!p0 $0x100000, s0  }
0x1db: {  	[sflag:s0] =	ssyncadd.tile.s32 @!p0 $0x1;
	_ =	shalt  }
.Lfunc_end2:
_tile_overlayer_lowered:
.L_overlay_start_2:
0x1dc: {  	(tag) =	ssettag $0x2  }
0x1dd: {  	s0 =	rddreg [dreg:$0x0];
	s2 =	stileid.u32  }
0x1de: {  	s1 =	rddreg [dreg:$0x1];
	p0 =	sne.s32 s2, $0x0  }
0x1df: {  	s3 =	rddreg [dreg:$0x2];
	[bflag:$0x3] =	sbarrier.arrive $0xFFFF;
	s2 =	simm.s32 @!p0 $0x1C03  }
0x1e0: {  	[timem:s3], [sflag:s2] =	dma.local @!p0 [hbm:s0], s1  }
0x1e1: {  	s0 =	simm.s32 @!p0 $0x3  }
0x1e2: {  	_ =	swait.ge @!p0 [sflag:s0], s1  }
0x1e3: {  	s1 =	ssub.s32 @!p0 $0x0, s1;
	[sflag:s0] =	ssyncset.done @!p0 $0x0  }
0x1e4: {  	[sflag:s0] =	ssyncadd.s32 @!p0 s1  }
0x1e5: {  	[bflag:$0x3] =	sbarrier.arrive $0xFFFF  }
0x1e6: {  	_ =	shalt  }

</sc_bundles>
